<compile_context>
chip_gen: v7x
topology: tpu7x:2x2x1
jax: 0.10.2.dev20260603
libtpu: 0.0.44.dev20260713+nightly
codegen_flags: <defaults>
</compile_context>

<pallas_src>
import functools

import jax
import jax.numpy as jnp
from jax.experimental import pallas as pl
from jax.experimental.pallas import tpu as pltpu
from jax.experimental.pallas import tpu_sc as plsc

E = 8
TOPK = 2
BM = 256
SC_W = 128
SC_C = 64

_VECTOR_MESH = plsc.VectorSubcoreMesh(
    core_axis_name="core", subcore_axis_name="subcore")


def _routing(expert_idxs):
    S = expert_idxs.shape[0] * expert_idxs.shape[1]
    NB = S // BM + E
    flat_e = expert_idxs.reshape(S).astype(jnp.int32)
    onehot = (flat_e[:, None] == jnp.arange(E, dtype=jnp.int32)[None, :])
    onehot_i = onehot.astype(jnp.int32)
    ranks = jnp.cumsum(onehot_i, axis=0) - onehot_i
    counts = jnp.sum(onehot_i, axis=0)
    padded = ((counts + BM - 1) // BM) * BM
    pad_off = jnp.cumsum(padded) - padded
    pos = jnp.sum(jnp.where(onehot, ranks + pad_off[None, :], 0), axis=1)
    pos = pos.astype(jnp.int32)
    bstart = (jnp.arange(NB, dtype=jnp.int32) * BM)[:, None]
    block_expert = jnp.sum((bstart >= pad_off[None, :]).astype(jnp.int32),
                           axis=1) - 1
    block_valid = (bstart[:, 0] < jnp.sum(padded)).astype(jnp.int32)
    return pos, block_expert.astype(jnp.int32), block_valid


@functools.partial(jax.jit, static_argnames=("n_rows",))
def _sc_dispatch(x, tok_idx, pos_a, pos_b, n_rows):
    nw = tok_idx.shape[0]
    D = x.shape[1]

    @functools.partial(
        pl.kernel,
        out_type=jax.ShapeDtypeStruct((n_rows, D), x.dtype),
        mesh=_VECTOR_MESH,
        scratch_types=[pltpu.VMEM((SC_C, D), x.dtype)],
    )
    def run(x_hbm, tok_hbm, pa_hbm, pb_hbm, o_hbm, buf):
        def body(tok_vmem, pa_vmem, pb_vmem):
            for c in range(0, SC_W, SC_C):
                pltpu.sync_copy(x_hbm.at[tok_vmem.at[0, pl.ds(c, SC_C)]], buf)
                pltpu.sync_copy(buf, o_hbm.at[pa_vmem.at[0, pl.ds(c, SC_C)]])
                pltpu.sync_copy(buf, o_hbm.at[pb_vmem.at[0, pl.ds(c, SC_C)]])

        pltpu.emit_pipeline(
            body,
            grid=(nw,),
            in_specs=[
                pl.BlockSpec((1, SC_W), index_map=lambda i: (i, 0)),
                pl.BlockSpec((1, SC_W), index_map=lambda i: (i, 0)),
                pl.BlockSpec((1, SC_W), index_map=lambda i: (i, 0)),
            ],
            out_specs=[],
            core_axis_name=("core", "subcore"),
            dimension_semantics=(pltpu.PARALLEL,),
        )(tok_hbm, pa_hbm, pb_hbm)

    return run(x, tok_idx, pos_a, pos_b)


@jax.jit
def _sc_combine_gather(y_sorted, pos_a, pos_b, dst):
    nw, _ = pos_a.shape
    T = nw * SC_W
    D = y_sorted.shape[1]
    otype = jax.ShapeDtypeStruct((T, D), y_sorted.dtype)

    @functools.partial(
        pl.kernel, out_type=(otype, otype), mesh=_VECTOR_MESH,
        scratch_types=[pltpu.VMEM((SC_C, D), y_sorted.dtype)],
    )
    def run(ys_hbm, pa_hbm, pb_hbm, dst_hbm, oa_hbm, ob_hbm, buf):
        def body(pa_vmem, pb_vmem, dst_vmem):
            for c in range(0, SC_W, SC_C):
                dsts = dst_vmem.at[0, pl.ds(c, SC_C)]
                pltpu.sync_copy(ys_hbm.at[pa_vmem.at[0, pl.ds(c, SC_C)]], buf)
                pltpu.sync_copy(buf, oa_hbm.at[dsts])
                pltpu.sync_copy(ys_hbm.at[pb_vmem.at[0, pl.ds(c, SC_C)]], buf)
                pltpu.sync_copy(buf, ob_hbm.at[dsts])

        pltpu.emit_pipeline(
            body,
            grid=(nw,),
            in_specs=[
                pl.BlockSpec((1, SC_W), index_map=lambda i: (i, 0)),
                pl.BlockSpec((1, SC_W), index_map=lambda i: (i, 0)),
                pl.BlockSpec((1, SC_W), index_map=lambda i: (i, 0)),
            ],
            out_specs=[],
            core_axis_name=("core", "subcore"),
            dimension_semantics=(pltpu.PARALLEL,),
        )(pa_hbm, pb_hbm, dst_hbm)

    return run(y_sorted, pos_a, pos_b, dst)


def _ffn_block(be_ref, bv_ref, x_ref, w1_ref, w2_ref, o_ref):
    @pl.when(bv_ref[pl.program_id(0)] != 0)
    def _():
        h = jnp.dot(x_ref[...].astype(jnp.bfloat16), w1_ref[0],
                    preferred_element_type=jnp.float32)
        h = jax.nn.gelu(h.astype(jnp.bfloat16))
        o_ref[...] = jnp.dot(h, w2_ref[0].astype(jnp.bfloat16),
                             preferred_element_type=jnp.float32)


@functools.partial(jax.jit, static_argnames=("nb",))
def _grouped_ffn(xin, W1b, W2, block_expert, block_valid, nb):
    D = xin.shape[1]
    H = W1b.shape[2]
    grid_spec = pltpu.PrefetchScalarGridSpec(
        num_scalar_prefetch=2,
        grid=(nb,),
        in_specs=[
            pl.BlockSpec((BM, D), lambda b, be, bv: (b, 0)),
            pl.BlockSpec((1, D, H), lambda b, be, bv: (be[b], 0, 0)),
            pl.BlockSpec((1, H, D), lambda b, be, bv: (be[b], 0, 0)),
        ],
        out_specs=pl.BlockSpec((BM, D), lambda b, be, bv: (b, 0)),
    )
    return pl.pallas_call(
        _ffn_block,
        grid_spec=grid_spec,
        out_shape=jax.ShapeDtypeStruct((nb * BM, D), jnp.float32),
    )(block_expert, block_valid, xin, W1b, W2)


def _combine_block(ya_ref, yb_ref, pa_ref, pb_ref, o_ref):
    o_ref[...] = pa_ref[...] * ya_ref[...] + pb_ref[...] * yb_ref[...]


@jax.jit
def _weighted_combine(ya, yb, pa, pb):
    T, D = ya.shape
    BT = 512
    return pl.pallas_call(
        _combine_block,
        grid=(T // BT,),
        in_specs=[
            pl.BlockSpec((BT, D), lambda i: (i, 0)),
            pl.BlockSpec((BT, D), lambda i: (i, 0)),
            pl.BlockSpec((BT, 1), lambda i: (i, 0)),
            pl.BlockSpec((BT, 1), lambda i: (i, 0)),
        ],
        out_specs=pl.BlockSpec((BT, D), lambda i: (i, 0)),
        out_shape=jax.ShapeDtypeStruct((T, D), jnp.float32),
    )(ya, yb, pa, pb)


def kernel(x, expert_p, expert_idxs, W1, W2):
    T, D = x.shape
    S = T * TOPK
    NB = S // BM + E

    pos, block_expert, block_valid = _routing(expert_idxs)

    pos2 = pos.reshape(T, TOPK)
    pos_a = pos2[:, 0].reshape(-1, SC_W)
    pos_b = pos2[:, 1].reshape(-1, SC_W)
    tok_idx = jnp.arange(T, dtype=jnp.int32).reshape(-1, SC_W)
    xin = _sc_dispatch(x, tok_idx, pos_a, pos_b, NB * BM)

    W1b = W1.astype(jnp.bfloat16)
    y_sorted = _grouped_ffn(xin, W1b, W2, block_expert, block_valid, NB)

    ya, yb = _sc_combine_gather(y_sorted, pos_a, pos_b, tok_idx)
    return _weighted_combine(ya, yb, expert_p[:, 0:1], expert_p[:, 1:2])

# --- scband reference (transcript-rebuilt; emitter-appended) ---
"""Pipeline reference for scband-mlp-41068477285034 (READ-ONLY COPY).

The authoritative reference and input builder live on the scoring server;
editing this copy changes nothing except your own understanding.
"""

import jax, jax.numpy as jnp
import numpy as np

E = 8
TOPK = 2
D = 1024
H = 4096
T = 4096


def setup_inputs(seed: int = 0) -> dict:
    key = jax.random.key(seed)
    k1, k2, k3, k4, k5 = jax.random.split(key, 5)
    x = jax.random.normal(k1, (T, D), dtype=jnp.float32)
    expert_p = jax.random.uniform(k2, (T, TOPK), dtype=jnp.float32)
    expert_idxs = jax.random.randint(k3, (T, TOPK), 0, E)
    W1 = jax.random.normal(k4, (E, D, H), dtype=jnp.float32) * 0.02
    W2 = jax.random.normal(k5, (E, H, D), dtype=jnp.float32) * 0.02
    return {"x": x, "expert_p": expert_p, "expert_idxs": expert_idxs, "W1": W1, "W2": W2}


def reference(x, expert_p, expert_idxs, W1, W2):
    # Flatten routing assignments: each token appears top_k times.
    top_k = expert_idxs.shape[1]
    flat = expert_idxs.reshape(-1)                           # [T*K]
    sort_idx = jnp.argsort(flat, stable=True)                # sorted_scattered_idxs
    sorted_e = flat[sort_idx]                                # sorted_expert_idxs
    token_idx = sort_idx // top_k                            # which token each slot maps to

    # Gather token inputs in expert-grouped order (grouped_out=True path).
    xin = x[token_idx]                                       # [T*K, D]

    num_experts = W1.shape[0]
    y_sorted = jnp.zeros((flat.shape[0], x.shape[1]), dtype=x.dtype)
    for e in range(num_experts):
        h = jax.nn.gelu(xin @ W1[e])                         # experts: D -> H + activation
        out = h @ W2[e]                                      # output_experts: H -> D
        y_sorted = jnp.where((sorted_e == e)[:, None], out, y_sorted)

    # Gate and scatter-add back to original token order (grouped_in=True, gates=expert_p).
    gates = expert_p.reshape(-1)[sort_idx]                   # [T*K]
    y = jnp.zeros((x.shape[0], D), dtype=x.dtype).at[token_idx].add(
        y_sorted * gates[:, None]
    )
    return y

if __name__ == "__main__":
    import jax
    _d = setup_inputs()
    print(jax.jit(kernel)(*tuple(_d.values())))

</pallas_src>

<mosaic_0001>
#map = affine_map<(d0, d1) -> (0, 0)>
module attributes {stable_mosaic.version = 14 : i64} {
  func.func @run(%arg0: i32, %arg1: i32, %arg2: memref<4096x1024xf32, #tpu.memory_space<hbm>>, %arg3: memref<32x128xi32, #tpu.memory_space<hbm>>, %arg4: memref<32x128xi32, #tpu.memory_space<hbm>>, %arg5: memref<32x128xi32, #tpu.memory_space<hbm>>, %arg6: memref<10240x1024xf32, #tpu.memory_space<hbm>>, %arg7: memref<64x1024xf32, #tpu.memory_space<vmem>>) attributes {dimension_semantics = [#tpu.dimension_semantics<core_parallel>, #tpu.dimension_semantics<subcore_parallel>], iteration_bounds = array<i64: 2, 16>, scalar_prefetch = 0 : i64, scratch_operands = 1 : i64, tpu.core_type = #tpu.core_type<sc_vector_subcore>, window_params = [{transform_indices = #map}, {transform_indices = #map}, {transform_indices = #map}, {transform_indices = #map}, {transform_indices = #map}]} {
    %mul3A = arith.constant 1 : i32
    %mul3A_0 = arith.muli %arg1, %mul3A : i32
    %add3A = arith.constant 0 : i32
    %add3A_1 = arith.addi %add3A, %mul3A_0 : i32
    %mul3A_2 = arith.constant 16 : i32
    %mul3A_3 = arith.muli %arg0, %mul3A_2 : i32
    %add3A_4 = arith.addi %add3A_1, %mul3A_3 : i32
    %mul3A_5 = arith.constant 1 : i32
    %mul3A_6 = arith.muli %add3A_4, %mul3A_5 : i32
    "tpu.region"() ({
      %run_scoped3A = memref.alloca() : memref<2x1x128xi32, #tpu.memory_space<vmem>>
      %run_scoped3A_7 = tpu.sem_alloc : memref<2x!tpu.dma_semaphore, #tpu.memory_space<semaphore_mem>>
      %run_scoped3A_8 = memref.alloca() : memref<2x1x128xi32, #tpu.memory_space<vmem>>
      %run_scoped3A_9 = tpu.sem_alloc : memref<2x!tpu.dma_semaphore, #tpu.memory_space<semaphore_mem>>
      %run_scoped3A_10 = memref.alloca() : memref<2x1x128xi32, #tpu.memory_space<vmem>>
      %run_scoped3A_11 = tpu.sem_alloc : memref<2x!tpu.dma_semaphore, #tpu.memory_space<semaphore_mem>>
      %add3A_12 = arith.constant 0 : i32
      %add3A_13 = arith.addi %add3A_12, %mul3A_6 : i32
      %select_n3A = arith.constant true
      %select_n3A_14 = arith.constant 0 : i32
      %select_n3A_15 = arith.constant -1 : i32
      %select_n3A_16 = arith.select %select_n3A, %select_n3A_15, %select_n3A_14 : i32
      %eq3A = arith.constant -1 : i32
      %eq3A_17 = arith.cmpi eq, %select_n3A_16, %eq3A : i32
      %select_n3A_18 = arith.constant 0 : i32
      %select_n3A_19 = arith.select %eq3A_17, %select_n3A_18, %select_n3A_16 : i32
      %add3A_20 = arith.constant 0 : i32
      %add3A_21 = arith.addi %add3A_20, %mul3A_6 : i32
      %select_n3A_22 = arith.constant true
      %select_n3A_23 = arith.constant 0 : i32
      %select_n3A_24 = arith.constant 1 : i32
      %select_n3A_25 = arith.select %select_n3A_22, %select_n3A_24, %select_n3A_23 : i32
      %eq3A_26 = arith.constant 1 : i32
      %eq3A_27 = arith.cmpi eq, %select_n3A_25, %eq3A_26 : i32
      %select_n3A_28 = arith.constant 0 : i32
      %select_n3A_29 = arith.select %eq3A_27, %select_n3A_28, %select_n3A_25 : i32
      %add3A_30 = arith.constant 0 : i32
      %add3A_31 = arith.addi %add3A_30, %mul3A_6 : i32
      %select_n3A_32 = arith.constant true
      %select_n3A_33 = arith.constant 0 : i32
      %select_n3A_34 = arith.constant 1 : i32
      %select_n3A_35 = arith.select %select_n3A_32, %select_n3A_34, %select_n3A_33 : i32
      %eq3A_36 = arith.constant 1 : i32
      %eq3A_37 = arith.cmpi eq, %select_n3A_35, %eq3A_36 : i32
      %select_n3A_38 = arith.constant 0 : i32
      %select_n3A_39 = arith.select %eq3A_37, %select_n3A_38, %select_n3A_35 : i32
      %add3A_40 = arith.constant 0 : i32
      %add3A_41 = arith.addi %add3A_40, %mul3A_6 : i32
      "tpu.trace_start"() <{level = 10 : i32, message = "ep_initialize_0"}> : () -> ()
      %rem3A = arith.constant 0 : i32
      %rem3A_42 = arith.constant 2 : i32
      %rem3A_43 = arith.remui %rem3A, %rem3A_42 : i32
      %mul3A_44 = arith.constant 1 : i32
      %mul3A_45 = arith.muli %mul3A_44, %add3A_13 : i32
      %dma_start3A = arith.constant 0 : i32
      %dma_start3A_46 = arith.constant 0 : i32
      %dma_start3A_47 = tpu.memref_slice %run_scoped3A[%rem3A_43, %dma_start3A, %dma_start3A_46] : memref<2x1x128xi32, #tpu.memory_space<vmem>> -> memref<1x1x128xi32, #tpu.memory_space<vmem>>
      %dma_start3A_48 = tpu.memref_squeeze %dma_start3A_47 : memref<1x1x128xi32, #tpu.memory_space<vmem>> -> memref<1x128xi32, #tpu.memory_space<vmem>>
      %dma_start3A_49 = arith.constant 0 : i32
      %dma_start3A_50 = tpu.memref_slice %arg3[%mul3A_45, %dma_start3A_49] : memref<32x128xi32, #tpu.memory_space<hbm>> -> memref<1x128xi32, #tpu.memory_space<hbm>>
      %dma_start3A_51 = tpu.memref_slice %run_scoped3A_7[%rem3A_43] : memref<2x!tpu.dma_semaphore, #tpu.memory_space<semaphore_mem>> -> memref<1x!tpu.dma_semaphore, #tpu.memory_space<semaphore_mem>>
      %dma_start3A_52 = tpu.memref_squeeze %dma_start3A_51 : memref<1x!tpu.dma_semaphore, #tpu.memory_space<semaphore_mem>> -> memref<!tpu.dma_semaphore, #tpu.memory_space<semaphore_mem>>
      %dma_start3A_53 = arith.constant 0 : i32
      %dma_start3A_54 = arith.constant 0 : i32
      %dma_start3A_55 = tpu.memref_slice %run_scoped3A[%rem3A_43, %dma_start3A_53, %dma_start3A_54] : memref<2x1x128xi32, #tpu.memory_space<vmem>> -> memref<1x1x128xi32, #tpu.memory_space<vmem>>
      %dma_start3A_56 = tpu.memref_squeeze %dma_start3A_55 : memref<1x1x128xi32, #tpu.memory_space<vmem>> -> memref<1x128xi32, #tpu.memory_space<vmem>>
      %dma_start3A_57 = arith.constant 0 : i32
      %dma_start3A_58 = tpu.memref_slice %arg3[%mul3A_45, %dma_start3A_57] : memref<32x128xi32, #tpu.memory_space<hbm>> -> memref<1x128xi32, #tpu.memory_space<hbm>>
      tpu.enqueue_dma source(%dma_start3A_58 : memref<1x128xi32, #tpu.memory_space<hbm>>) target(%dma_start3A_56 : memref<1x128xi32, #tpu.memory_space<vmem>>) target_semaphore(%dma_start3A_52 : memref<!tpu.dma_semaphore, #tpu.memory_space<semaphore_mem>>)
      %add3A_59 = arith.constant 0 : i32
      %add3A_60 = arith.constant 1 : i32
      %add3A_61 = arith.addi %add3A_59, %add3A_60 : i32
      %select_n3A_62 = arith.constant true
      %select_n3A_63 = arith.constant 0 : i32
      %select_n3A_64 = arith.select %select_n3A_62, %add3A_61, %select_n3A_63 : i32
      %rem3A_65 = arith.constant 0 : i32
      %rem3A_66 = arith.constant 2 : i32
      %rem3A_67 = arith.remui %rem3A_65, %rem3A_66 : i32
      %mul3A_68 = arith.constant 1 : i32
      %mul3A_69 = arith.muli %mul3A_68, %add3A_13 : i32
      %dma_start3A_70 = arith.constant 0 : i32
      %dma_start3A_71 = arith.constant 0 : i32
      %dma_start3A_72 = tpu.memref_slice %run_scoped3A_8[%rem3A_67, %dma_start3A_70, %dma_start3A_71] : memref<2x1x128xi32, #tpu.memory_space<vmem>> -> memref<1x1x128xi32, #tpu.memory_space<vmem>>
      %dma_start3A_73 = tpu.memref_squeeze %dma_start3A_72 : memref<1x1x128xi32, #tpu.memory_space<vmem>> -> memref<1x128xi32, #tpu.memory_space<vmem>>
      %dma_start3A_74 = arith.constant 0 : i32
      %dma_start3A_75 = tpu.memref_slice %arg4[%mul3A_69, %dma_start3A_74] : memref<32x128xi32, #tpu.memory_space<hbm>> -> memref<1x128xi32, #tpu.memory_space<hbm>>
      %dma_start3A_76 = tpu.memref_slice %run_scoped3A_9[%rem3A_67] : memref<2x!tpu.dma_semaphore, #tpu.memory_space<semaphore_mem>> -> memref<1x!tpu.dma_semaphore, #tpu.memory_space<semaphore_mem>>
      %dma_start3A_77 = tpu.memref_squeeze %dma_start3A_76 : memref<1x!tpu.dma_semaphore, #tpu.memory_space<semaphore_mem>> -> memref<!tpu.dma_semaphore, #tpu.memory_space<semaphore_mem>>
      %dma_start3A_78 = arith.constant 0 : i32
      %dma_start3A_79 = arith.constant 0 : i32
      %dma_start3A_80 = tpu.memref_slice %run_scoped3A_8[%rem3A_67, %dma_start3A_78, %dma_start3A_79] : memref<2x1x128xi32, #tpu.memory_space<vmem>> -> memref<1x1x128xi32, #tpu.memory_space<vmem>>
      %dma_start3A_81 = tpu.memref_squeeze %dma_start3A_80 : memref<1x1x128xi32, #tpu.memory_space<vmem>> -> memref<1x128xi32, #tpu.memory_space<vmem>>
      %dma_start3A_82 = arith.constant 0 : i32
      %dma_start3A_83 = tpu.memref_slice %arg4[%mul3A_69, %dma_start3A_82] : memref<32x128xi32, #tpu.memory_space<hbm>> -> memref<1x128xi32, #tpu.memory_space<hbm>>
      tpu.enqueue_dma source(%dma_start3A_83 : memref<1x128xi32, #tpu.memory_space<hbm>>) target(%dma_start3A_81 : memref<1x128xi32, #tpu.memory_space<vmem>>) target_semaphore(%dma_start3A_77 : memref<!tpu.dma_semaphore, #tpu.memory_space<semaphore_mem>>)
      %add3A_84 = arith.constant 0 : i32
      %add3A_85 = arith.constant 1 : i32
      %add3A_86 = arith.addi %add3A_84, %add3A_85 : i32
      %select_n3A_87 = arith.constant true
      %select_n3A_88 = arith.constant 0 : i32
      %select_n3A_89 = arith.select %select_n3A_87, %add3A_86, %select_n3A_88 : i32
      %rem3A_90 = arith.constant 0 : i32
      %rem3A_91 = arith.constant 2 : i32
      %rem3A_92 = arith.remui %rem3A_90, %rem3A_91 : i32
      %mul3A_93 = arith.constant 1 : i32
      %mul3A_94 = arith.muli %mul3A_93, %add3A_13 : i32
      %dma_start3A_95 = arith.constant 0 : i32
      %dma_start3A_96 = arith.constant 0 : i32
      %dma_start3A_97 = tpu.memref_slice %run_scoped3A_10[%rem3A_92, %dma_start3A_95, %dma_start3A_96] : memref<2x1x128xi32, #tpu.memory_space<vmem>> -> memref<1x1x128xi32, #tpu.memory_space<vmem>>
      %dma_start3A_98 = tpu.memref_squeeze %dma_start3A_97 : memref<1x1x128xi32, #tpu.memory_space<vmem>> -> memref<1x128xi32, #tpu.memory_space<vmem>>
      %dma_start3A_99 = arith.constant 0 : i32
      %dma_start3A_100 = tpu.memref_slice %arg5[%mul3A_94, %dma_start3A_99] : memref<32x128xi32, #tpu.memory_space<hbm>> -> memref<1x128xi32, #tpu.memory_space<hbm>>
      %dma_start3A_101 = tpu.memref_slice %run_scoped3A_11[%rem3A_92] : memref<2x!tpu.dma_semaphore, #tpu.memory_space<semaphore_mem>> -> memref<1x!tpu.dma_semaphore, #tpu.memory_space<semaphore_mem>>
      %dma_start3A_102 = tpu.memref_squeeze %dma_start3A_101 : memref<1x!tpu.dma_semaphore, #tpu.memory_space<semaphore_mem>> -> memref<!tpu.dma_semaphore, #tpu.memory_space<semaphore_mem>>
      %dma_start3A_103 = arith.constant 0 : i32
      %dma_start3A_104 = arith.constant 0 : i32
      %dma_start3A_105 = tpu.memref_slice %run_scoped3A_10[%rem3A_92, %dma_start3A_103, %dma_start3A_104] : memref<2x1x128xi32, #tpu.memory_space<vmem>> -> memref<1x1x128xi32, #tpu.memory_space<vmem>>
      %dma_start3A_106 = tpu.memref_squeeze %dma_start3A_105 : memref<1x1x128xi32, #tpu.memory_space<vmem>> -> memref<1x128xi32, #tpu.memory_space<vmem>>
      %dma_start3A_107 = arith.constant 0 : i32
      %dma_start3A_108 = tpu.memref_slice %arg5[%mul3A_94, %dma_start3A_107] : memref<32x128xi32, #tpu.memory_space<hbm>> -> memref<1x128xi32, #tpu.memory_space<hbm>>
      tpu.enqueue_dma source(%dma_start3A_108 : memref<1x128xi32, #tpu.memory_space<hbm>>) target(%dma_start3A_106 : memref<1x128xi32, #tpu.memory_space<vmem>>) target_semaphore(%dma_start3A_102 : memref<!tpu.dma_semaphore, #tpu.memory_space<semaphore_mem>>)
      %add3A_109 = arith.constant 0 : i32
      %add3A_110 = arith.constant 1 : i32
      %add3A_111 = arith.addi %add3A_109, %add3A_110 : i32
      %select_n3A_112 = arith.constant true
      %select_n3A_113 = arith.constant 0 : i32
      %select_n3A_114 = arith.select %select_n3A_112, %add3A_111, %select_n3A_113 : i32
      "tpu.trace_stop"() : () -> ()
      %scan3A = arith.constant 0 : i32
      %scan3A_115 = arith.constant 0 : i32
      %scan3A_116 = arith.constant 0 : i32
      %scan3A_117 = arith.constant 0 : i32
      %scan3A_118 = arith.constant 0 : i32
      %eq3A_119 = arith.constant 0 : i32
      %eq3A_120 = arith.cmpi eq, %scan3A_118, %eq3A_119 : i32
      %eq3A_121 = arith.constant 0 : i32
      %eq3A_122 = arith.cmpi eq, %scan3A_118, %eq3A_121 : i32
      %add3A_123 = arith.constant 0 : i32
      %add3A_124 = arith.addi %add3A_123, %mul3A_6 : i32
      %select_n3A_125 = arith.constant true
      %select_n3A_126 = arith.constant 0 : i32
      %select_n3A_127 = arith.constant -1 : i32
      %select_n3A_128 = arith.select %select_n3A_125, %select_n3A_127, %select_n3A_126 : i32
      %eq3A_129 = arith.constant -1 : i32
      %eq3A_130 = arith.cmpi eq, %select_n3A_128, %eq3A_129 : i32
      %select_n3A_131 = arith.constant 0 : i32
      %select_n3A_132 = arith.select %eq3A_130, %select_n3A_131, %select_n3A_128 : i32
      %add3A_133 = arith.constant 0 : i32
      %add3A_134 = arith.addi %add3A_133, %mul3A_6 : i32
      %select_n3A_135 = arith.constant true
      %select_n3A_136 = arith.constant 0 : i32
      %select_n3A_137 = arith.constant 1 : i32
      %select_n3A_138 = arith.select %select_n3A_135, %select_n3A_137, %select_n3A_136 : i32
      %eq3A_139 = arith.constant 1 : i32
      %eq3A_140 = arith.cmpi eq, %select_n3A_138, %eq3A_139 : i32
      %select_n3A_141 = arith.constant 0 : i32
      %select_n3A_142 = arith.select %eq3A_140, %select_n3A_141, %select_n3A_138 : i32
      %add3A_143 = arith.constant 0 : i32
      %add3A_144 = arith.addi %add3A_143, %mul3A_6 : i32
      %select_n3A_145 = arith.constant true
      %select_n3A_146 = arith.constant 0 : i32
      %select_n3A_147 = arith.constant 1 : i32
      %select_n3A_148 = arith.select %select_n3A_145, %select_n3A_147, %select_n3A_146 : i32
      %eq3A_149 = arith.constant 1 : i32
      %eq3A_150 = arith.cmpi eq, %select_n3A_148, %eq3A_149 : i32
      %select_n3A_151 = arith.constant 0 : i32
      %select_n3A_152 = arith.select %eq3A_150, %select_n3A_151, %select_n3A_148 : i32
      %add3A_153 = arith.constant 0 : i32
      %add3A_154 = arith.addi %add3A_153, %mul3A_6 : i32
      %ne3A = arith.cmpi ne, %add3A_124, %add3A_144 : i32
      %or3A = arith.constant false
      %or3A_155 = arith.ori %or3A, %ne3A : i1
      %or3A_156 = arith.constant false
      %or3A_157 = arith.ori %or3A_155, %or3A_156 : i1
      %ge3A = arith.constant 0 : i32
      %ge3A_158 = arith.cmpi sge, %scan3A_118, %ge3A : i32
      %not3A = arith.constant true
      %not3A_159 = arith.xori %ge3A_158, %not3A : i1
      %and3A = arith.andi %or3A_157, %not3A_159 : i1
      %convert_element_type3A = arith.extui %and3A : i1 to i32
      %cond3A = arith.constant 0 : i32
      %cond3A_160 = arith.cmpi ne, %convert_element_type3A, %cond3A : i32
      scf.if %cond3A_160 {
        "tpu.trace_start"() <{level = 10 : i32, message = "ep_copy_in"}> : () -> ()
        %rem3A_389 = arith.constant 2 : i32
        %rem3A_390 = arith.remui %select_n3A_64, %rem3A_389 : i32
        %mul3A_391 = arith.constant 1 : i32
        %mul3A_392 = arith.muli %mul3A_391, %add3A_144 : i32
        %dma_start3A_393 = arith.constant 0 : i32
        %dma_start3A_394 = arith.constant 0 : i32
        %dma_start3A_395 = tpu.memref_slice %run_scoped3A[%rem3A_390, %dma_start3A_393, %dma_start3A_394] : memref<2x1x128xi32, #tpu.memory_space<vmem>> -> memref<1x1x128xi32, #tpu.memory_space<vmem>>
        %dma_start3A_396 = tpu.memref_squeeze %dma_start3A_395 : memref<1x1x128xi32, #tpu.memory_space<vmem>> -> memref<1x128xi32, #tpu.memory_space<vmem>>
        %dma_start3A_397 = arith.constant 0 : i32
        %dma_start3A_398 = tpu.memref_slice %arg3[%mul3A_392, %dma_start3A_397] : memref<32x128xi32, #tpu.memory_space<hbm>> -> memref<1x128xi32, #tpu.memory_space<hbm>>
        %dma_start3A_399 = tpu.memref_slice %run_scoped3A_7[%rem3A_390] : memref<2x!tpu.dma_semaphore, #tpu.memory_space<semaphore_mem>> -> memref<1x!tpu.dma_semaphore, #tpu.memory_space<semaphore_mem>>
        %dma_start3A_400 = tpu.memref_squeeze %dma_start3A_399 : memref<1x!tpu.dma_semaphore, #tpu.memory_space<semaphore_mem>> -> memref<!tpu.dma_semaphore, #tpu.memory_space<semaphore_mem>>
        %dma_start3A_401 = arith.constant 0 : i32
        %dma_start3A_402 = arith.constant 0 : i32
        %dma_start3A_403 = tpu.memref_slice %run_scoped3A[%rem3A_390, %dma_start3A_401, %dma_start3A_402] : memref<2x1x128xi32, #tpu.memory_space<vmem>> -> memref<1x1x128xi32, #tpu.memory_space<vmem>>
        %dma_start3A_404 = tpu.memref_squeeze %dma_start3A_403 : memref<1x1x128xi32, #tpu.memory_space<vmem>> -> memref<1x128xi32, #tpu.memory_space<vmem>>
        %dma_start3A_405 = arith.constant 0 : i32
        %dma_start3A_406 = tpu.memref_slice %arg3[%mul3A_392, %dma_start3A_405] : memref<32x128xi32, #tpu.memory_space<hbm>> -> memref<1x128xi32, #tpu.memory_space<hbm>>
        tpu.enqueue_dma source(%dma_start3A_406 : memref<1x128xi32, #tpu.memory_space<hbm>>) target(%dma_start3A_404 : memref<1x128xi32, #tpu.memory_space<vmem>>) target_semaphore(%dma_start3A_400 : memref<!tpu.dma_semaphore, #tpu.memory_space<semaphore_mem>>)
        "tpu.trace_stop"() : () -> ()
      } else {
      }
      %and3A_161 = arith.constant true
      %and3A_162 = arith.andi %and3A, %and3A_161 : i1
      %add3A_163 = arith.constant 1 : i32
      %add3A_164 = arith.addi %select_n3A_64, %add3A_163 : i32
      %select_n3A_165 = arith.select %and3A_162, %add3A_164, %select_n3A_64 : i32
      %ne3A_166 = arith.cmpi ne, %add3A_124, %add3A_144 : i32
      %or3A_167 = arith.constant false
      %or3A_168 = arith.ori %or3A_167, %ne3A_166 : i1
      %or3A_169 = arith.constant false
      %or3A_170 = arith.ori %or3A_168, %or3A_169 : i1
      %ge3A_171 = arith.constant 0 : i32
      %ge3A_172 = arith.cmpi sge, %scan3A_118, %ge3A_171 : i32
      %not3A_173 = arith.constant true
      %not3A_174 = arith.xori %ge3A_172, %not3A_173 : i1
      %and3A_175 = arith.andi %or3A_170, %not3A_174 : i1
      %convert_element_type3A_176 = arith.extui %and3A_175 : i1 to i32
      %cond3A_177 = arith.constant 0 : i32
      %cond3A_178 = arith.cmpi ne, %convert_element_type3A_176, %cond3A_177 : i32
      scf.if %cond3A_178 {
        "tpu.trace_start"() <{level = 10 : i32, message = "ep_copy_in"}> : () -> ()
        %rem3A_389 = arith.constant 2 : i32
        %rem3A_390 = arith.remui %select_n3A_89, %rem3A_389 : i32
        %mul3A_391 = arith.constant 1 : i32
        %mul3A_392 = arith.muli %mul3A_391, %add3A_144 : i32
        %dma_start3A_393 = arith.constant 0 : i32
        %dma_start3A_394 = arith.constant 0 : i32
        %dma_start3A_395 = tpu.memref_slice %run_scoped3A_8[%rem3A_390, %dma_start3A_393, %dma_start3A_394] : memref<2x1x128xi32, #tpu.memory_space<vmem>> -> memref<1x1x128xi32, #tpu.memory_space<vmem>>
        %dma_start3A_396 = tpu.memref_squeeze %dma_start3A_395 : memref<1x1x128xi32, #tpu.memory_space<vmem>> -> memref<1x128xi32, #tpu.memory_space<vmem>>
        %dma_start3A_397 = arith.constant 0 : i32
        %dma_start3A_398 = tpu.memref_slice %arg4[%mul3A_392, %dma_start3A_397] : memref<32x128xi32, #tpu.memory_space<hbm>> -> memref<1x128xi32, #tpu.memory_space<hbm>>
        %dma_start3A_399 = tpu.memref_slice %run_scoped3A_9[%rem3A_390] : memref<2x!tpu.dma_semaphore, #tpu.memory_space<semaphore_mem>> -> memref<1x!tpu.dma_semaphore, #tpu.memory_space<semaphore_mem>>
        %dma_start3A_400 = tpu.memref_squeeze %dma_start3A_399 : memref<1x!tpu.dma_semaphore, #tpu.memory_space<semaphore_mem>> -> memref<!tpu.dma_semaphore, #tpu.memory_space<semaphore_mem>>
        %dma_start3A_401 = arith.constant 0 : i32
        %dma_start3A_402 = arith.constant 0 : i32
        %dma_start3A_403 = tpu.memref_slice %run_scoped3A_8[%rem3A_390, %dma_start3A_401, %dma_start3A_402] : memref<2x1x128xi32, #tpu.memory_space<vmem>> -> memref<1x1x128xi32, #tpu.memory_space<vmem>>
        %dma_start3A_404 = tpu.memref_squeeze %dma_start3A_403 : memref<1x1x128xi32, #tpu.memory_space<vmem>> -> memref<1x128xi32, #tpu.memory_space<vmem>>
        %dma_start3A_405 = arith.constant 0 : i32
        %dma_start3A_406 = tpu.memref_slice %arg4[%mul3A_392, %dma_start3A_405] : memref<32x128xi32, #tpu.memory_space<hbm>> -> memref<1x128xi32, #tpu.memory_space<hbm>>
        tpu.enqueue_dma source(%dma_start3A_406 : memref<1x128xi32, #tpu.memory_space<hbm>>) target(%dma_start3A_404 : memref<1x128xi32, #tpu.memory_space<vmem>>) target_semaphore(%dma_start3A_400 : memref<!tpu.dma_semaphore, #tpu.memory_space<semaphore_mem>>)
        "tpu.trace_stop"() : () -> ()
      } else {
      }
      %and3A_179 = arith.constant true
      %and3A_180 = arith.andi %and3A_175, %and3A_179 : i1
      %add3A_181 = arith.constant 1 : i32
      %add3A_182 = arith.addi %select_n3A_89, %add3A_181 : i32
      %select_n3A_183 = arith.select %and3A_180, %add3A_182, %select_n3A_89 : i32
      %ne3A_184 = arith.cmpi ne, %add3A_124, %add3A_144 : i32
      %or3A_185 = arith.constant false
      %or3A_186 = arith.ori %or3A_185, %ne3A_184 : i1
      %or3A_187 = arith.constant false
      %or3A_188 = arith.ori %or3A_186, %or3A_187 : i1
      %ge3A_189 = arith.constant 0 : i32
      %ge3A_190 = arith.cmpi sge, %scan3A_118, %ge3A_189 : i32
      %not3A_191 = arith.constant true
      %not3A_192 = arith.xori %ge3A_190, %not3A_191 : i1
      %and3A_193 = arith.andi %or3A_188, %not3A_192 : i1
      %convert_element_type3A_194 = arith.extui %and3A_193 : i1 to i32
      %cond3A_195 = arith.constant 0 : i32
      %cond3A_196 = arith.cmpi ne, %convert_element_type3A_194, %cond3A_195 : i32
      scf.if %cond3A_196 {
        "tpu.trace_start"() <{level = 10 : i32, message = "ep_copy_in"}> : () -> ()
        %rem3A_389 = arith.constant 2 : i32
        %rem3A_390 = arith.remui %select_n3A_114, %rem3A_389 : i32
        %mul3A_391 = arith.constant 1 : i32
        %mul3A_392 = arith.muli %mul3A_391, %add3A_144 : i32
        %dma_start3A_393 = arith.constant 0 : i32
        %dma_start3A_394 = arith.constant 0 : i32
        %dma_start3A_395 = tpu.memref_slice %run_scoped3A_10[%rem3A_390, %dma_start3A_393, %dma_start3A_394] : memref<2x1x128xi32, #tpu.memory_space<vmem>> -> memref<1x1x128xi32, #tpu.memory_space<vmem>>
        %dma_start3A_396 = tpu.memref_squeeze %dma_start3A_395 : memref<1x1x128xi32, #tpu.memory_space<vmem>> -> memref<1x128xi32, #tpu.memory_space<vmem>>
        %dma_start3A_397 = arith.constant 0 : i32
        %dma_start3A_398 = tpu.memref_slice %arg5[%mul3A_392, %dma_start3A_397] : memref<32x128xi32, #tpu.memory_space<hbm>> -> memref<1x128xi32, #tpu.memory_space<hbm>>
        %dma_start3A_399 = tpu.memref_slice %run_scoped3A_11[%rem3A_390] : memref<2x!tpu.dma_semaphore, #tpu.memory_space<semaphore_mem>> -> memref<1x!tpu.dma_semaphore, #tpu.memory_space<semaphore_mem>>
        %dma_start3A_400 = tpu.memref_squeeze %dma_start3A_399 : memref<1x!tpu.dma_semaphore, #tpu.memory_space<semaphore_mem>> -> memref<!tpu.dma_semaphore, #tpu.memory_space<semaphore_mem>>
        %dma_start3A_401 = arith.constant 0 : i32
        %dma_start3A_402 = arith.constant 0 : i32
        %dma_start3A_403 = tpu.memref_slice %run_scoped3A_10[%rem3A_390, %dma_start3A_401, %dma_start3A_402] : memref<2x1x128xi32, #tpu.memory_space<vmem>> -> memref<1x1x128xi32, #tpu.memory_space<vmem>>
        %dma_start3A_404 = tpu.memref_squeeze %dma_start3A_403 : memref<1x1x128xi32, #tpu.memory_space<vmem>> -> memref<1x128xi32, #tpu.memory_space<vmem>>
        %dma_start3A_405 = arith.constant 0 : i32
        %dma_start3A_406 = tpu.memref_slice %arg5[%mul3A_392, %dma_start3A_405] : memref<32x128xi32, #tpu.memory_space<hbm>> -> memref<1x128xi32, #tpu.memory_space<hbm>>
        tpu.enqueue_dma source(%dma_start3A_406 : memref<1x128xi32, #tpu.memory_space<hbm>>) target(%dma_start3A_404 : memref<1x128xi32, #tpu.memory_space<vmem>>) target_semaphore(%dma_start3A_400 : memref<!tpu.dma_semaphore, #tpu.memory_space<semaphore_mem>>)
        "tpu.trace_stop"() : () -> ()
      } else {
      }
      %and3A_197 = arith.constant true
      %and3A_198 = arith.andi %and3A_193, %and3A_197 : i1
      %add3A_199 = arith.constant 1 : i32
      %add3A_200 = arith.addi %select_n3A_114, %add3A_199 : i32
      %select_n3A_201 = arith.select %and3A_198, %add3A_200, %select_n3A_114 : i32
      %ne3A_202 = arith.cmpi ne, %add3A_124, %add3A_134 : i32
      %or3A_203 = arith.constant false
      %or3A_204 = arith.ori %or3A_203, %ne3A_202 : i1
      %or3A_205 = arith.constant false
      %or3A_206 = arith.ori %or3A_204, %or3A_205 : i1
      %or3A_207 = arith.ori %or3A_206, %eq3A_120 : i1
      %convert_element_type3A_208 = arith.extui %or3A_207 : i1 to i32
      %cond3A_209 = arith.constant 0 : i32
      %cond3A_210 = arith.cmpi ne, %convert_element_type3A_208, %cond3A_209 : i32
      scf.if %cond3A_210 {
        "tpu.trace_start"() <{level = 10 : i32, message = "ep_wait_in"}> : () -> ()
        %mul3A_389 = arith.constant 1 : i32
        %mul3A_390 = arith.muli %mul3A_389, %add3A_124 : i32
        %rem3A_391 = arith.constant 2 : i32
        %rem3A_392 = arith.remui %scan3A, %rem3A_391 : i32
        %dma_wait3A = arith.constant 0 : i32
        %dma_wait3A_393 = arith.constant 0 : i32
        %dma_wait3A_394 = tpu.memref_slice %run_scoped3A[%rem3A_392, %dma_wait3A, %dma_wait3A_393] : memref<2x1x128xi32, #tpu.memory_space<vmem>> -> memref<1x1x128xi32, #tpu.memory_space<vmem>>
        %dma_wait3A_395 = tpu.memref_squeeze %dma_wait3A_394 : memref<1x1x128xi32, #tpu.memory_space<vmem>> -> memref<1x128xi32, #tpu.memory_space<vmem>>
        %dma_wait3A_396 = arith.constant 0 : i32
        %dma_wait3A_397 = tpu.memref_slice %arg3[%mul3A_390, %dma_wait3A_396] : memref<32x128xi32, #tpu.memory_space<hbm>> -> memref<1x128xi32, #tpu.memory_space<hbm>>
        %dma_wait3A_398 = tpu.memref_slice %run_scoped3A_7[%rem3A_392] : memref<2x!tpu.dma_semaphore, #tpu.memory_space<semaphore_mem>> -> memref<1x!tpu.dma_semaphore, #tpu.memory_space<semaphore_mem>>
        %dma_wait3A_399 = tpu.memref_squeeze %dma_wait3A_398 : memref<1x!tpu.dma_semaphore, #tpu.memory_space<semaphore_mem>> -> memref<!tpu.dma_semaphore, #tpu.memory_space<semaphore_mem>>
        %dma_wait3A_400 = arith.constant 0 : i32
        %dma_wait3A_401 = arith.constant 0 : i32
        %dma_wait3A_402 = tpu.memref_slice %run_scoped3A[%rem3A_392, %dma_wait3A_400, %dma_wait3A_401] : memref<2x1x128xi32, #tpu.memory_space<vmem>> -> memref<1x1x128xi32, #tpu.memory_space<vmem>>
        %dma_wait3A_403 = tpu.memref_squeeze %dma_wait3A_402 : memref<1x1x128xi32, #tpu.memory_space<vmem>> -> memref<1x128xi32, #tpu.memory_space<vmem>>
        %dma_wait3A_404 = arith.constant 0 : i32
        %dma_wait3A_405 = tpu.memref_slice %arg3[%mul3A_390, %dma_wait3A_404] : memref<32x128xi32, #tpu.memory_space<hbm>> -> memref<1x128xi32, #tpu.memory_space<hbm>>
        tpu.wait_dma2 semaphore(%dma_wait3A_399 : memref<!tpu.dma_semaphore, #tpu.memory_space<semaphore_mem>>) src(%dma_wait3A_405 : memref<1x128xi32, #tpu.memory_space<hbm>>) dst(%dma_wait3A_403 : memref<1x128xi32, #tpu.memory_space<vmem>>)
        "tpu.trace_stop"() : () -> ()
      } else {
      }
      %ne3A_211 = arith.cmpi ne, %add3A_124, %add3A_134 : i32
      %or3A_212 = arith.constant false
      %or3A_213 = arith.ori %or3A_212, %ne3A_211 : i1
      %or3A_214 = arith.constant false
      %or3A_215 = arith.ori %or3A_213, %or3A_214 : i1
      %or3A_216 = arith.ori %or3A_215, %eq3A_120 : i1
      %convert_element_type3A_217 = arith.extui %or3A_216 : i1 to i32
      %cond3A_218 = arith.constant 0 : i32
      %cond3A_219 = arith.cmpi ne, %convert_element_type3A_217, %cond3A_218 : i32
      scf.if %cond3A_219 {
        "tpu.trace_start"() <{level = 10 : i32, message = "ep_wait_in"}> : () -> ()
        %mul3A_389 = arith.constant 1 : i32
        %mul3A_390 = arith.muli %mul3A_389, %add3A_124 : i32
        %rem3A_391 = arith.constant 2 : i32
        %rem3A_392 = arith.remui %scan3A_115, %rem3A_391 : i32
        %dma_wait3A = arith.constant 0 : i32
        %dma_wait3A_393 = arith.constant 0 : i32
        %dma_wait3A_394 = tpu.memref_slice %run_scoped3A_8[%rem3A_392, %dma_wait3A, %dma_wait3A_393] : memref<2x1x128xi32, #tpu.memory_space<vmem>> -> memref<1x1x128xi32, #tpu.memory_space<vmem>>
        %dma_wait3A_395 = tpu.memref_squeeze %dma_wait3A_394 : memref<1x1x128xi32, #tpu.memory_space<vmem>> -> memref<1x128xi32, #tpu.memory_space<vmem>>
        %dma_wait3A_396 = arith.constant 0 : i32
        %dma_wait3A_397 = tpu.memref_slice %arg4[%mul3A_390, %dma_wait3A_396] : memref<32x128xi32, #tpu.memory_space<hbm>> -> memref<1x128xi32, #tpu.memory_space<hbm>>
        %dma_wait3A_398 = tpu.memref_slice %run_scoped3A_9[%rem3A_392] : memref<2x!tpu.dma_semaphore, #tpu.memory_space<semaphore_mem>> -> memref<1x!tpu.dma_semaphore, #tpu.memory_space<semaphore_mem>>
        %dma_wait3A_399 = tpu.memref_squeeze %dma_wait3A_398 : memref<1x!tpu.dma_semaphore, #tpu.memory_space<semaphore_mem>> -> memref<!tpu.dma_semaphore, #tpu.memory_space<semaphore_mem>>
        %dma_wait3A_400 = arith.constant 0 : i32
        %dma_wait3A_401 = arith.constant 0 : i32
        %dma_wait3A_402 = tpu.memref_slice %run_scoped3A_8[%rem3A_392, %dma_wait3A_400, %dma_wait3A_401] : memref<2x1x128xi32, #tpu.memory_space<vmem>> -> memref<1x1x128xi32, #tpu.memory_space<vmem>>
        %dma_wait3A_403 = tpu.memref_squeeze %dma_wait3A_402 : memref<1x1x128xi32, #tpu.memory_space<vmem>> -> memref<1x128xi32, #tpu.memory_space<vmem>>
        %dma_wait3A_404 = arith.constant 0 : i32
        %dma_wait3A_405 = tpu.memref_slice %arg4[%mul3A_390, %dma_wait3A_404] : memref<32x128xi32, #tpu.memory_space<hbm>> -> memref<1x128xi32, #tpu.memory_space<hbm>>
        tpu.wait_dma2 semaphore(%dma_wait3A_399 : memref<!tpu.dma_semaphore, #tpu.memory_space<semaphore_mem>>) src(%dma_wait3A_405 : memref<1x128xi32, #tpu.memory_space<hbm>>) dst(%dma_wait3A_403 : memref<1x128xi32, #tpu.memory_space<vmem>>)
        "tpu.trace_stop"() : () -> ()
      } else {
      }
      %ne3A_220 = arith.cmpi ne, %add3A_124, %add3A_134 : i32
      %or3A_221 = arith.constant false
      %or3A_222 = arith.ori %or3A_221, %ne3A_220 : i1
      %or3A_223 = arith.constant false
      %or3A_224 = arith.ori %or3A_222, %or3A_223 : i1
      %or3A_225 = arith.ori %or3A_224, %eq3A_120 : i1
      %convert_element_type3A_226 = arith.extui %or3A_225 : i1 to i32
      %cond3A_227 = arith.constant 0 : i32
      %cond3A_228 = arith.cmpi ne, %convert_element_type3A_226, %cond3A_227 : i32
      scf.if %cond3A_228 {
        "tpu.trace_start"() <{level = 10 : i32, message = "ep_wait_in"}> : () -> ()
        %mul3A_389 = arith.constant 1 : i32
        %mul3A_390 = arith.muli %mul3A_389, %add3A_124 : i32
        %rem3A_391 = arith.constant 2 : i32
        %rem3A_392 = arith.remui %scan3A_116, %rem3A_391 : i32
        %dma_wait3A = arith.constant 0 : i32
        %dma_wait3A_393 = arith.constant 0 : i32
        %dma_wait3A_394 = tpu.memref_slice %run_scoped3A_10[%rem3A_392, %dma_wait3A, %dma_wait3A_393] : memref<2x1x128xi32, #tpu.memory_space<vmem>> -> memref<1x1x128xi32, #tpu.memory_space<vmem>>
        %dma_wait3A_395 = tpu.memref_squeeze %dma_wait3A_394 : memref<1x1x128xi32, #tpu.memory_space<vmem>> -> memref<1x128xi32, #tpu.memory_space<vmem>>
        %dma_wait3A_396 = arith.constant 0 : i32
        %dma_wait3A_397 = tpu.memref_slice %arg5[%mul3A_390, %dma_wait3A_396] : memref<32x128xi32, #tpu.memory_space<hbm>> -> memref<1x128xi32, #tpu.memory_space<hbm>>
        %dma_wait3A_398 = tpu.memref_slice %run_scoped3A_11[%rem3A_392] : memref<2x!tpu.dma_semaphore, #tpu.memory_space<semaphore_mem>> -> memref<1x!tpu.dma_semaphore, #tpu.memory_space<semaphore_mem>>
        %dma_wait3A_399 = tpu.memref_squeeze %dma_wait3A_398 : memref<1x!tpu.dma_semaphore, #tpu.memory_space<semaphore_mem>> -> memref<!tpu.dma_semaphore, #tpu.memory_space<semaphore_mem>>
        %dma_wait3A_400 = arith.constant 0 : i32
        %dma_wait3A_401 = arith.constant 0 : i32
        %dma_wait3A_402 = tpu.memref_slice %run_scoped3A_10[%rem3A_392, %dma_wait3A_400, %dma_wait3A_401] : memref<2x1x128xi32, #tpu.memory_space<vmem>> -> memref<1x1x128xi32, #tpu.memory_space<vmem>>
        %dma_wait3A_403 = tpu.memref_squeeze %dma_wait3A_402 : memref<1x1x128xi32, #tpu.memory_space<vmem>> -> memref<1x128xi32, #tpu.memory_space<vmem>>
        %dma_wait3A_404 = arith.constant 0 : i32
        %dma_wait3A_405 = tpu.memref_slice %arg5[%mul3A_390, %dma_wait3A_404] : memref<32x128xi32, #tpu.memory_space<hbm>> -> memref<1x128xi32, #tpu.memory_space<hbm>>
        tpu.wait_dma2 semaphore(%dma_wait3A_399 : memref<!tpu.dma_semaphore, #tpu.memory_space<semaphore_mem>>) src(%dma_wait3A_405 : memref<1x128xi32, #tpu.memory_space<hbm>>) dst(%dma_wait3A_403 : memref<1x128xi32, #tpu.memory_space<vmem>>)
        "tpu.trace_stop"() : () -> ()
      } else {
      }
      %rem3A_229 = arith.constant 2 : i32
      %rem3A_230 = arith.remui %scan3A, %rem3A_229 : i32
      %rem3A_231 = arith.constant 2 : i32
      %rem3A_232 = arith.remui %scan3A_115, %rem3A_231 : i32
      %rem3A_233 = arith.constant 2 : i32
      %rem3A_234 = arith.remui %scan3A_116, %rem3A_233 : i32
      %run_scoped3A_235 = arith.constant 0 : i32
      "tpu.trace_start"() <{level = 10 : i32, message = "ep_run_kernel"}> : () -> ()
      "tpu.region"() ({
        %run_scoped3A_389 = tpu.sem_alloc : memref<!tpu.dma_semaphore, #tpu.memory_space<semaphore_mem>>
        %dma_start3A_390 = arith.constant 0 : i32
        %dma_start3A_391 = arith.constant 0 : i32
        %dma_start3A_392 = tpu.memref_slice %run_scoped3A[%rem3A_230, %dma_start3A_390, %dma_start3A_391] : memref<2x1x128xi32, #tpu.memory_space<vmem>> -> memref<1x1x128xi32, #tpu.memory_space<vmem>>
        %dma_start3A_393 = tpu.memref_squeeze %dma_start3A_392 : memref<1x1x128xi32, #tpu.memory_space<vmem>> -> memref<1x128xi32, #tpu.memory_space<vmem>>
        %dma_start3A_394 = arith.constant 0 : i32
        %dma_start3A_395 = tpu.memref_slice %dma_start3A_393[%run_scoped3A_235, %dma_start3A_394] : memref<1x128xi32, #tpu.memory_space<vmem>> -> memref<1x64xi32, #tpu.memory_space<vmem>>
        %dma_start3A_396 = tpu.memref_squeeze %dma_start3A_395 : memref<1x64xi32, #tpu.memory_space<vmem>> -> memref<64xi32, #tpu.memory_space<vmem>>
        %dma_start3A_397 = arith.constant 0 : i32
        %dma_start3A_398 = arith.constant 0 : i32
        %dma_start3A_399 = tpu.memref_slice %arg2[%dma_start3A_397, %dma_start3A_398] : memref<4096x1024xf32, #tpu.memory_space<hbm>> -> memref<4096x1024xf32, #tpu.memory_space<hbm>>
        tpu.enqueue_indirect_dma source(%dma_start3A_399 : memref<4096x1024xf32, #tpu.memory_space<hbm>>) target(%arg7 : memref<64x1024xf32, #tpu.memory_space<vmem>>) offsets(%dma_start3A_396 : memref<64xi32, #tpu.memory_space<vmem>>) semaphore(%run_scoped3A_389 : memref<!tpu.dma_semaphore, #tpu.memory_space<semaphore_mem>>)
        %dma_wait3A = arith.constant 0 : i32
        %dma_wait3A_400 = arith.constant 0 : i32
        %dma_wait3A_401 = tpu.memref_slice %run_scoped3A[%rem3A_230, %dma_wait3A, %dma_wait3A_400] : memref<2x1x128xi32, #tpu.memory_space<vmem>> -> memref<1x1x128xi32, #tpu.memory_space<vmem>>
        %dma_wait3A_402 = tpu.memref_squeeze %dma_wait3A_401 : memref<1x1x128xi32, #tpu.memory_space<vmem>> -> memref<1x128xi32, #tpu.memory_space<vmem>>
        %dma_wait3A_403 = arith.constant 0 : i32
        %dma_wait3A_404 = tpu.memref_slice %dma_wait3A_402[%run_scoped3A_235, %dma_wait3A_403] : memref<1x128xi32, #tpu.memory_space<vmem>> -> memref<1x64xi32, #tpu.memory_space<vmem>>
        %dma_wait3A_405 = tpu.memref_squeeze %dma_wait3A_404 : memref<1x64xi32, #tpu.memory_space<vmem>> -> memref<64xi32, #tpu.memory_space<vmem>>
        %dma_wait3A_406 = arith.constant 0 : i32
        %dma_wait3A_407 = arith.constant 0 : i32
        %dma_wait3A_408 = tpu.memref_slice %arg2[%dma_wait3A_406, %dma_wait3A_407] : memref<4096x1024xf32, #tpu.memory_space<hbm>> -> memref<4096x1024xf32, #tpu.memory_space<hbm>>
        tpu.wait_indirect_dma semaphore(%run_scoped3A_389 : memref<!tpu.dma_semaphore, #tpu.memory_space<semaphore_mem>>) src(%dma_wait3A_408 : memref<4096x1024xf32, #tpu.memory_space<hbm>>) dst(%arg7 : memref<64x1024xf32, #tpu.memory_space<vmem>>)
        tpu.yield
      }) : () -> ()
      %run_scoped3A_236 = arith.constant 0 : i32
      "tpu.region"() ({
        %run_scoped3A_389 = tpu.sem_alloc : memref<!tpu.dma_semaphore, #tpu.memory_space<semaphore_mem>>
        %dma_start3A_390 = arith.constant 0 : i32
        %dma_start3A_391 = arith.constant 0 : i32
        %dma_start3A_392 = tpu.memref_slice %run_scoped3A_8[%rem3A_232, %dma_start3A_390, %dma_start3A_391] : memref<2x1x128xi32, #tpu.memory_space<vmem>> -> memref<1x1x128xi32, #tpu.memory_space<vmem>>
        %dma_start3A_393 = tpu.memref_squeeze %dma_start3A_392 : memref<1x1x128xi32, #tpu.memory_space<vmem>> -> memref<1x128xi32, #tpu.memory_space<vmem>>
        %dma_start3A_394 = arith.constant 0 : i32
        %dma_start3A_395 = tpu.memref_slice %dma_start3A_393[%run_scoped3A_236, %dma_start3A_394] : memref<1x128xi32, #tpu.memory_space<vmem>> -> memref<1x64xi32, #tpu.memory_space<vmem>>
        %dma_start3A_396 = tpu.memref_squeeze %dma_start3A_395 : memref<1x64xi32, #tpu.memory_space<vmem>> -> memref<64xi32, #tpu.memory_space<vmem>>
        %dma_start3A_397 = arith.constant 0 : i32
        %dma_start3A_398 = arith.constant 0 : i32
        %dma_start3A_399 = tpu.memref_slice %arg6[%dma_start3A_397, %dma_start3A_398] : memref<10240x1024xf32, #tpu.memory_space<hbm>> -> memref<10240x1024xf32, #tpu.memory_space<hbm>>
        tpu.enqueue_indirect_dma source(%arg7 : memref<64x1024xf32, #tpu.memory_space<vmem>>) target(%dma_start3A_399 : memref<10240x1024xf32, #tpu.memory_space<hbm>>) offsets(%dma_start3A_396 : memref<64xi32, #tpu.memory_space<vmem>>) semaphore(%run_scoped3A_389 : memref<!tpu.dma_semaphore, #tpu.memory_space<semaphore_mem>>)
        %dma_wait3A = arith.constant 0 : i32
        %dma_wait3A_400 = arith.constant 0 : i32
        %dma_wait3A_401 = tpu.memref_slice %run_scoped3A_8[%rem3A_232, %dma_wait3A, %dma_wait3A_400] : memref<2x1x128xi32, #tpu.memory_space<vmem>> -> memref<1x1x128xi32, #tpu.memory_space<vmem>>
        %dma_wait3A_402 = tpu.memref_squeeze %dma_wait3A_401 : memref<1x1x128xi32, #tpu.memory_space<vmem>> -> memref<1x128xi32, #tpu.memory_space<vmem>>
        %dma_wait3A_403 = arith.constant 0 : i32
        %dma_wait3A_404 = tpu.memref_slice %dma_wait3A_402[%run_scoped3A_236, %dma_wait3A_403] : memref<1x128xi32, #tpu.memory_space<vmem>> -> memref<1x64xi32, #tpu.memory_space<vmem>>
        %dma_wait3A_405 = tpu.memref_squeeze %dma_wait3A_404 : memref<1x64xi32, #tpu.memory_space<vmem>> -> memref<64xi32, #tpu.memory_space<vmem>>
        %dma_wait3A_406 = arith.constant 0 : i32
        %dma_wait3A_407 = arith.constant 0 : i32
        %dma_wait3A_408 = tpu.memref_slice %arg6[%dma_wait3A_406, %dma_wait3A_407] : memref<10240x1024xf32, #tpu.memory_space<hbm>> -> memref<10240x1024xf32, #tpu.memory_space<hbm>>
        tpu.wait_indirect_dma semaphore(%run_scoped3A_389 : memref<!tpu.dma_semaphore, #tpu.memory_space<semaphore_mem>>) src(%arg7 : memref<64x1024xf32, #tpu.memory_space<vmem>>) dst(%dma_wait3A_408 : memref<10240x1024xf32, #tpu.memory_space<hbm>>)
        tpu.yield
      }) : () -> ()
      %run_scoped3A_237 = arith.constant 0 : i32
      "tpu.region"() ({
        %run_scoped3A_389 = tpu.sem_alloc : memref<!tpu.dma_semaphore, #tpu.memory_space<semaphore_mem>>
        %dma_start3A_390 = arith.constant 0 : i32
        %dma_start3A_391 = arith.constant 0 : i32
        %dma_start3A_392 = tpu.memref_slice %run_scoped3A_10[%rem3A_234, %dma_start3A_390, %dma_start3A_391] : memref<2x1x128xi32, #tpu.memory_space<vmem>> -> memref<1x1x128xi32, #tpu.memory_space<vmem>>
        %dma_start3A_393 = tpu.memref_squeeze %dma_start3A_392 : memref<1x1x128xi32, #tpu.memory_space<vmem>> -> memref<1x128xi32, #tpu.memory_space<vmem>>
        %dma_start3A_394 = arith.constant 0 : i32
        %dma_start3A_395 = tpu.memref_slice %dma_start3A_393[%run_scoped3A_237, %dma_start3A_394] : memref<1x128xi32, #tpu.memory_space<vmem>> -> memref<1x64xi32, #tpu.memory_space<vmem>>
        %dma_start3A_396 = tpu.memref_squeeze %dma_start3A_395 : memref<1x64xi32, #tpu.memory_space<vmem>> -> memref<64xi32, #tpu.memory_space<vmem>>
        %dma_start3A_397 = arith.constant 0 : i32
        %dma_start3A_398 = arith.constant 0 : i32
        %dma_start3A_399 = tpu.memref_slice %arg6[%dma_start3A_397, %dma_start3A_398] : memref<10240x1024xf32, #tpu.memory_space<hbm>> -> memref<10240x1024xf32, #tpu.memory_space<hbm>>
        tpu.enqueue_indirect_dma source(%arg7 : memref<64x1024xf32, #tpu.memory_space<vmem>>) target(%dma_start3A_399 : memref<10240x1024xf32, #tpu.memory_space<hbm>>) offsets(%dma_start3A_396 : memref<64xi32, #tpu.memory_space<vmem>>) semaphore(%run_scoped3A_389 : memref<!tpu.dma_semaphore, #tpu.memory_space<semaphore_mem>>)
        %dma_wait3A = arith.constant 0 : i32
        %dma_wait3A_400 = arith.constant 0 : i32
        %dma_wait3A_401 = tpu.memref_slice %run_scoped3A_10[%rem3A_234, %dma_wait3A, %dma_wait3A_400] : memref<2x1x128xi32, #tpu.memory_space<vmem>> -> memref<1x1x128xi32, #tpu.memory_space<vmem>>
        %dma_wait3A_402 = tpu.memref_squeeze %dma_wait3A_401 : memref<1x1x128xi32, #tpu.memory_space<vmem>> -> memref<1x128xi32, #tpu.memory_space<vmem>>
        %dma_wait3A_403 = arith.constant 0 : i32
        %dma_wait3A_404 = tpu.memref_slice %dma_wait3A_402[%run_scoped3A_237, %dma_wait3A_403] : memref<1x128xi32, #tpu.memory_space<vmem>> -> memref<1x64xi32, #tpu.memory_space<vmem>>
        %dma_wait3A_405 = tpu.memref_squeeze %dma_wait3A_404 : memref<1x64xi32, #tpu.memory_space<vmem>> -> memref<64xi32, #tpu.memory_space<vmem>>
        %dma_wait3A_406 = arith.constant 0 : i32
        %dma_wait3A_407 = arith.constant 0 : i32
        %dma_wait3A_408 = tpu.memref_slice %arg6[%dma_wait3A_406, %dma_wait3A_407] : memref<10240x1024xf32, #tpu.memory_space<hbm>> -> memref<10240x1024xf32, #tpu.memory_space<hbm>>
        tpu.wait_indirect_dma semaphore(%run_scoped3A_389 : memref<!tpu.dma_semaphore, #tpu.memory_space<semaphore_mem>>) src(%arg7 : memref<64x1024xf32, #tpu.memory_space<vmem>>) dst(%dma_wait3A_408 : memref<10240x1024xf32, #tpu.memory_space<hbm>>)
        tpu.yield
      }) : () -> ()
      %run_scoped3A_238 = arith.constant 0 : i32
      "tpu.region"() ({
        %run_scoped3A_389 = tpu.sem_alloc : memref<!tpu.dma_semaphore, #tpu.memory_space<semaphore_mem>>
        %dma_start3A_390 = arith.constant 0 : i32
        %dma_start3A_391 = arith.constant 0 : i32
        %dma_start3A_392 = tpu.memref_slice %run_scoped3A[%rem3A_230, %dma_start3A_390, %dma_start3A_391] : memref<2x1x128xi32, #tpu.memory_space<vmem>> -> memref<1x1x128xi32, #tpu.memory_space<vmem>>
        %dma_start3A_393 = tpu.memref_squeeze %dma_start3A_392 : memref<1x1x128xi32, #tpu.memory_space<vmem>> -> memref<1x128xi32, #tpu.memory_space<vmem>>
        %dma_start3A_394 = arith.constant 64 : i32
        %dma_start3A_395 = tpu.memref_slice %dma_start3A_393[%run_scoped3A_238, %dma_start3A_394] : memref<1x128xi32, #tpu.memory_space<vmem>> -> memref<1x64xi32, #tpu.memory_space<vmem>>
        %dma_start3A_396 = tpu.memref_squeeze %dma_start3A_395 : memref<1x64xi32, #tpu.memory_space<vmem>> -> memref<64xi32, #tpu.memory_space<vmem>>
        %dma_start3A_397 = arith.constant 0 : i32
        %dma_start3A_398 = arith.constant 0 : i32
        %dma_start3A_399 = tpu.memref_slice %arg2[%dma_start3A_397, %dma_start3A_398] : memref<4096x1024xf32, #tpu.memory_space<hbm>> -> memref<4096x1024xf32, #tpu.memory_space<hbm>>
        tpu.enqueue_indirect_dma source(%dma_start3A_399 : memref<4096x1024xf32, #tpu.memory_space<hbm>>) target(%arg7 : memref<64x1024xf32, #tpu.memory_space<vmem>>) offsets(%dma_start3A_396 : memref<64xi32, #tpu.memory_space<vmem>>) semaphore(%run_scoped3A_389 : memref<!tpu.dma_semaphore, #tpu.memory_space<semaphore_mem>>)
        %dma_wait3A = arith.constant 0 : i32
        %dma_wait3A_400 = arith.constant 0 : i32
        %dma_wait3A_401 = tpu.memref_slice %run_scoped3A[%rem3A_230, %dma_wait3A, %dma_wait3A_400] : memref<2x1x128xi32, #tpu.memory_space<vmem>> -> memref<1x1x128xi32, #tpu.memory_space<vmem>>
        %dma_wait3A_402 = tpu.memref_squeeze %dma_wait3A_401 : memref<1x1x128xi32, #tpu.memory_space<vmem>> -> memref<1x128xi32, #tpu.memory_space<vmem>>
        %dma_wait3A_403 = arith.constant 64 : i32
        %dma_wait3A_404 = tpu.memref_slice %dma_wait3A_402[%run_scoped3A_238, %dma_wait3A_403] : memref<1x128xi32, #tpu.memory_space<vmem>> -> memref<1x64xi32, #tpu.memory_space<vmem>>
        %dma_wait3A_405 = tpu.memref_squeeze %dma_wait3A_404 : memref<1x64xi32, #tpu.memory_space<vmem>> -> memref<64xi32, #tpu.memory_space<vmem>>
        %dma_wait3A_406 = arith.constant 0 : i32
        %dma_wait3A_407 = arith.constant 0 : i32
        %dma_wait3A_408 = tpu.memref_slice %arg2[%dma_wait3A_406, %dma_wait3A_407] : memref<4096x1024xf32, #tpu.memory_space<hbm>> -> memref<4096x1024xf32, #tpu.memory_space<hbm>>
        tpu.wait_indirect_dma semaphore(%run_scoped3A_389 : memref<!tpu.dma_semaphore, #tpu.memory_space<semaphore_mem>>) src(%dma_wait3A_408 : memref<4096x1024xf32, #tpu.memory_space<hbm>>) dst(%arg7 : memref<64x1024xf32, #tpu.memory_space<vmem>>)
        tpu.yield
      }) : () -> ()
      %run_scoped3A_239 = arith.constant 0 : i32
      "tpu.region"() ({
        %run_scoped3A_389 = tpu.sem_alloc : memref<!tpu.dma_semaphore, #tpu.memory_space<semaphore_mem>>
        %dma_start3A_390 = arith.constant 0 : i32
        %dma_start3A_391 = arith.constant 0 : i32
        %dma_start3A_392 = tpu.memref_slice %run_scoped3A_8[%rem3A_232, %dma_start3A_390, %dma_start3A_391] : memref<2x1x128xi32, #tpu.memory_space<vmem>> -> memref<1x1x128xi32, #tpu.memory_space<vmem>>
        %dma_start3A_393 = tpu.memref_squeeze %dma_start3A_392 : memref<1x1x128xi32, #tpu.memory_space<vmem>> -> memref<1x128xi32, #tpu.memory_space<vmem>>
        %dma_start3A_394 = arith.constant 64 : i32
        %dma_start3A_395 = tpu.memref_slice %dma_start3A_393[%run_scoped3A_239, %dma_start3A_394] : memref<1x128xi32, #tpu.memory_space<vmem>> -> memref<1x64xi32, #tpu.memory_space<vmem>>
        %dma_start3A_396 = tpu.memref_squeeze %dma_start3A_395 : memref<1x64xi32, #tpu.memory_space<vmem>> -> memref<64xi32, #tpu.memory_space<vmem>>
        %dma_start3A_397 = arith.constant 0 : i32
        %dma_start3A_398 = arith.constant 0 : i32
        %dma_start3A_399 = tpu.memref_slice %arg6[%dma_start3A_397, %dma_start3A_398] : memref<10240x1024xf32, #tpu.memory_space<hbm>> -> memref<10240x1024xf32, #tpu.memory_space<hbm>>
        tpu.enqueue_indirect_dma source(%arg7 : memref<64x1024xf32, #tpu.memory_space<vmem>>) target(%dma_start3A_399 : memref<10240x1024xf32, #tpu.memory_space<hbm>>) offsets(%dma_start3A_396 : memref<64xi32, #tpu.memory_space<vmem>>) semaphore(%run_scoped3A_389 : memref<!tpu.dma_semaphore, #tpu.memory_space<semaphore_mem>>)
        %dma_wait3A = arith.constant 0 : i32
        %dma_wait3A_400 = arith.constant 0 : i32
        %dma_wait3A_401 = tpu.memref_slice %run_scoped3A_8[%rem3A_232, %dma_wait3A, %dma_wait3A_400] : memref<2x1x128xi32, #tpu.memory_space<vmem>> -> memref<1x1x128xi32, #tpu.memory_space<vmem>>
        %dma_wait3A_402 = tpu.memref_squeeze %dma_wait3A_401 : memref<1x1x128xi32, #tpu.memory_space<vmem>> -> memref<1x128xi32, #tpu.memory_space<vmem>>
        %dma_wait3A_403 = arith.constant 64 : i32
        %dma_wait3A_404 = tpu.memref_slice %dma_wait3A_402[%run_scoped3A_239, %dma_wait3A_403] : memref<1x128xi32, #tpu.memory_space<vmem>> -> memref<1x64xi32, #tpu.memory_space<vmem>>
        %dma_wait3A_405 = tpu.memref_squeeze %dma_wait3A_404 : memref<1x64xi32, #tpu.memory_space<vmem>> -> memref<64xi32, #tpu.memory_space<vmem>>
        %dma_wait3A_406 = arith.constant 0 : i32
        %dma_wait3A_407 = arith.constant 0 : i32
        %dma_wait3A_408 = tpu.memref_slice %arg6[%dma_wait3A_406, %dma_wait3A_407] : memref<10240x1024xf32, #tpu.memory_space<hbm>> -> memref<10240x1024xf32, #tpu.memory_space<hbm>>
        tpu.wait_indirect_dma semaphore(%run_scoped3A_389 : memref<!tpu.dma_semaphore, #tpu.memory_space<semaphore_mem>>) src(%arg7 : memref<64x1024xf32, #tpu.memory_space<vmem>>) dst(%dma_wait3A_408 : memref<10240x1024xf32, #tpu.memory_space<hbm>>)
        tpu.yield
      }) : () -> ()
      %run_scoped3A_240 = arith.constant 0 : i32
      "tpu.region"() ({
        %run_scoped3A_389 = tpu.sem_alloc : memref<!tpu.dma_semaphore, #tpu.memory_space<semaphore_mem>>
        %dma_start3A_390 = arith.constant 0 : i32
        %dma_start3A_391 = arith.constant 0 : i32
        %dma_start3A_392 = tpu.memref_slice %run_scoped3A_10[%rem3A_234, %dma_start3A_390, %dma_start3A_391] : memref<2x1x128xi32, #tpu.memory_space<vmem>> -> memref<1x1x128xi32, #tpu.memory_space<vmem>>
        %dma_start3A_393 = tpu.memref_squeeze %dma_start3A_392 : memref<1x1x128xi32, #tpu.memory_space<vmem>> -> memref<1x128xi32, #tpu.memory_space<vmem>>
        %dma_start3A_394 = arith.constant 64 : i32
        %dma_start3A_395 = tpu.memref_slice %dma_start3A_393[%run_scoped3A_240, %dma_start3A_394] : memref<1x128xi32, #tpu.memory_space<vmem>> -> memref<1x64xi32, #tpu.memory_space<vmem>>
        %dma_start3A_396 = tpu.memref_squeeze %dma_start3A_395 : memref<1x64xi32, #tpu.memory_space<vmem>> -> memref<64xi32, #tpu.memory_space<vmem>>
        %dma_start3A_397 = arith.constant 0 : i32
        %dma_start3A_398 = arith.constant 0 : i32
        %dma_start3A_399 = tpu.memref_slice %arg6[%dma_start3A_397, %dma_start3A_398] : memref<10240x1024xf32, #tpu.memory_space<hbm>> -> memref<10240x1024xf32, #tpu.memory_space<hbm>>
        tpu.enqueue_indirect_dma source(%arg7 : memref<64x1024xf32, #tpu.memory_space<vmem>>) target(%dma_start3A_399 : memref<10240x1024xf32, #tpu.memory_space<hbm>>) offsets(%dma_start3A_396 : memref<64xi32, #tpu.memory_space<vmem>>) semaphore(%run_scoped3A_389 : memref<!tpu.dma_semaphore, #tpu.memory_space<semaphore_mem>>)
        %dma_wait3A = arith.constant 0 : i32
        %dma_wait3A_400 = arith.constant 0 : i32
        %dma_wait3A_401 = tpu.memref_slice %run_scoped3A_10[%rem3A_234, %dma_wait3A, %dma_wait3A_400] : memref<2x1x128xi32, #tpu.memory_space<vmem>> -> memref<1x1x128xi32, #tpu.memory_space<vmem>>
        %dma_wait3A_402 = tpu.memref_squeeze %dma_wait3A_401 : memref<1x1x128xi32, #tpu.memory_space<vmem>> -> memref<1x128xi32, #tpu.memory_space<vmem>>
        %dma_wait3A_403 = arith.constant 64 : i32
        %dma_wait3A_404 = tpu.memref_slice %dma_wait3A_402[%run_scoped3A_240, %dma_wait3A_403] : memref<1x128xi32, #tpu.memory_space<vmem>> -> memref<1x64xi32, #tpu.memory_space<vmem>>
        %dma_wait3A_405 = tpu.memref_squeeze %dma_wait3A_404 : memref<1x64xi32, #tpu.memory_space<vmem>> -> memref<64xi32, #tpu.memory_space<vmem>>
        %dma_wait3A_406 = arith.constant 0 : i32
        %dma_wait3A_407 = arith.constant 0 : i32
        %dma_wait3A_408 = tpu.memref_slice %arg6[%dma_wait3A_406, %dma_wait3A_407] : memref<10240x1024xf32, #tpu.memory_space<hbm>> -> memref<10240x1024xf32, #tpu.memory_space<hbm>>
        tpu.wait_indirect_dma semaphore(%run_scoped3A_389 : memref<!tpu.dma_semaphore, #tpu.memory_space<semaphore_mem>>) src(%arg7 : memref<64x1024xf32, #tpu.memory_space<vmem>>) dst(%dma_wait3A_408 : memref<10240x1024xf32, #tpu.memory_space<hbm>>)
        tpu.yield
      }) : () -> ()
      "tpu.trace_stop"() : () -> ()
      %ne3A_241 = arith.cmpi ne, %add3A_124, %add3A_144 : i32
      %or3A_242 = arith.constant false
      %or3A_243 = arith.ori %or3A_242, %ne3A_241 : i1
      %or3A_244 = arith.constant false
      %or3A_245 = arith.ori %or3A_243, %or3A_244 : i1
      %or3A_246 = arith.ori %or3A_245, %eq3A_122 : i1
      %convert_element_type3A_247 = arith.extui %or3A_246 : i1 to i32
      %cond3A_248 = arith.constant 0 : i32
      %cond3A_249 = arith.cmpi ne, %convert_element_type3A_247, %cond3A_248 : i32
      scf.if %cond3A_249 {
      } else {
      }
      %and3A_250 = arith.constant false
      %and3A_251 = arith.andi %or3A_246, %and3A_250 : i1
      %ne3A_252 = arith.cmpi ne, %add3A_124, %add3A_144 : i32
      %or3A_253 = arith.constant false
      %or3A_254 = arith.ori %or3A_253, %ne3A_252 : i1
      %or3A_255 = arith.constant false
      %or3A_256 = arith.ori %or3A_254, %or3A_255 : i1
      %or3A_257 = arith.ori %or3A_256, %eq3A_122 : i1
      %convert_element_type3A_258 = arith.extui %or3A_257 : i1 to i32
      %cond3A_259 = arith.constant 0 : i32
      %cond3A_260 = arith.cmpi ne, %convert_element_type3A_258, %cond3A_259 : i32
      scf.if %cond3A_260 {
      } else {
      }
      %and3A_261 = arith.constant false
      %and3A_262 = arith.andi %or3A_257, %and3A_261 : i1
      %ne3A_263 = arith.cmpi ne, %add3A_124, %add3A_144 : i32
      %or3A_264 = arith.constant false
      %or3A_265 = arith.ori %or3A_264, %ne3A_263 : i1
      %or3A_266 = arith.constant false
      %or3A_267 = arith.ori %or3A_265, %or3A_266 : i1
      %or3A_268 = arith.ori %or3A_267, %eq3A_122 : i1
      %convert_element_type3A_269 = arith.extui %or3A_268 : i1 to i32
      %cond3A_270 = arith.constant 0 : i32
      %cond3A_271 = arith.cmpi ne, %convert_element_type3A_269, %cond3A_270 : i32
      scf.if %cond3A_271 {
      } else {
      }
      %and3A_272 = arith.constant false
      %and3A_273 = arith.andi %or3A_268, %and3A_272 : i1
      %ne3A_274 = arith.cmpi ne, %add3A_124, %add3A_134 : i32
      %or3A_275 = arith.constant false
      %or3A_276 = arith.ori %or3A_275, %ne3A_274 : i1
      %or3A_277 = arith.constant false
      %or3A_278 = arith.ori %or3A_276, %or3A_277 : i1
      %not3A_279 = arith.constant true
      %not3A_280 = arith.xori %eq3A_120, %not3A_279 : i1
      %and3A_281 = arith.andi %or3A_278, %not3A_280 : i1
      %convert_element_type3A_282 = arith.extui %and3A_281 : i1 to i32
      %cond3A_283 = arith.constant 0 : i32
      %cond3A_284 = arith.cmpi ne, %convert_element_type3A_282, %cond3A_283 : i32
      scf.if %cond3A_284 {
      } else {
      }
      %and3A_285 = arith.constant false
      %and3A_286 = arith.andi %and3A_281, %and3A_285 : i1
      %ne3A_287 = arith.cmpi ne, %add3A_124, %add3A_134 : i32
      %or3A_288 = arith.constant false
      %or3A_289 = arith.ori %or3A_288, %ne3A_287 : i1
      %or3A_290 = arith.constant false
      %or3A_291 = arith.ori %or3A_289, %or3A_290 : i1
      %not3A_292 = arith.constant true
      %not3A_293 = arith.xori %eq3A_120, %not3A_292 : i1
      %and3A_294 = arith.andi %or3A_291, %not3A_293 : i1
      %convert_element_type3A_295 = arith.extui %and3A_294 : i1 to i32
      %cond3A_296 = arith.constant 0 : i32
      %cond3A_297 = arith.cmpi ne, %convert_element_type3A_295, %cond3A_296 : i32
      scf.if %cond3A_297 {
      } else {
      }
      %and3A_298 = arith.constant false
      %and3A_299 = arith.andi %and3A_294, %and3A_298 : i1
      %ne3A_300 = arith.cmpi ne, %add3A_124, %add3A_134 : i32
      %or3A_301 = arith.constant false
      %or3A_302 = arith.ori %or3A_301, %ne3A_300 : i1
      %or3A_303 = arith.constant false
      %or3A_304 = arith.ori %or3A_302, %or3A_303 : i1
      %not3A_305 = arith.constant true
      %not3A_306 = arith.xori %eq3A_120, %not3A_305 : i1
      %and3A_307 = arith.andi %or3A_304, %not3A_306 : i1
      %convert_element_type3A_308 = arith.extui %and3A_307 : i1 to i32
      %cond3A_309 = arith.constant 0 : i32
      %cond3A_310 = arith.cmpi ne, %convert_element_type3A_308, %cond3A_309 : i32
      scf.if %cond3A_310 {
      } else {
      }
      %and3A_311 = arith.constant false
      %and3A_312 = arith.andi %and3A_307, %and3A_311 : i1
      %ne3A_313 = arith.cmpi ne, %add3A_124, %add3A_144 : i32
      %or3A_314 = arith.constant false
      %or3A_315 = arith.ori %or3A_314, %ne3A_313 : i1
      %or3A_316 = arith.constant false
      %or3A_317 = arith.ori %or3A_315, %or3A_316 : i1
      %or3A_318 = arith.ori %or3A_317, %eq3A_122 : i1
      %add3A_319 = arith.constant 1 : i32
      %add3A_320 = arith.addi %scan3A, %add3A_319 : i32
      %select_n3A_321 = arith.select %or3A_318, %add3A_320, %scan3A : i32
      %ne3A_322 = arith.cmpi ne, %add3A_124, %add3A_144 : i32
      %or3A_323 = arith.constant false
      %or3A_324 = arith.ori %or3A_323, %ne3A_322 : i1
      %or3A_325 = arith.constant false
      %or3A_326 = arith.ori %or3A_324, %or3A_325 : i1
      %or3A_327 = arith.ori %or3A_326, %eq3A_122 : i1
      %add3A_328 = arith.constant 1 : i32
      %add3A_329 = arith.addi %scan3A_115, %add3A_328 : i32
      %select_n3A_330 = arith.select %or3A_327, %add3A_329, %scan3A_115 : i32
      %ne3A_331 = arith.cmpi ne, %add3A_124, %add3A_144 : i32
      %or3A_332 = arith.constant false
      %or3A_333 = arith.ori %or3A_332, %ne3A_331 : i1
      %or3A_334 = arith.constant false
      %or3A_335 = arith.ori %or3A_333, %or3A_334 : i1
      %or3A_336 = arith.ori %or3A_335, %eq3A_122 : i1
      %add3A_337 = arith.constant 1 : i32
      %add3A_338 = arith.addi %scan3A_116, %add3A_337 : i32
      %select_n3A_339 = arith.select %or3A_336, %add3A_338, %scan3A_116 : i32
      %select_n3A_340 = arith.constant true
      %select_n3A_341 = arith.constant 0 : i32
      %select_n3A_342 = arith.constant 1 : i32
      %select_n3A_343 = arith.select %select_n3A_340, %select_n3A_342, %select_n3A_341 : i32
      %eq3A_344 = arith.constant 1 : i32
      %eq3A_345 = arith.cmpi eq, %select_n3A_343, %eq3A_344 : i32
      %select_n3A_346 = arith.constant 0 : i32
      %select_n3A_347 = arith.select %eq3A_345, %select_n3A_346, %select_n3A_343 : i32
      %scan3A_348 = arith.constant 0 : i32
      %scan3A_349 = arith.constant 1 : i32
      %sub3A = arith.constant 1 : i32
      %sub3A_350 = arith.subi %scan3A_348, %sub3A : i32
      %select_n3A_351 = arith.constant true
      %select_n3A_352 = arith.select %select_n3A_351, %sub3A_350, %scan3A_348 : i32
      %eq3A_353 = arith.constant -1 : i32
      %eq3A_354 = arith.cmpi eq, %select_n3A_352, %eq3A_353 : i32
      %select_n3A_355 = arith.constant 0 : i32
      %select_n3A_356 = arith.select %eq3A_354, %select_n3A_355, %select_n3A_352 : i32
      %add3A_357 = arith.constant 0 : i32
      %add3A_358 = arith.addi %add3A_357, %mul3A_6 : i32
      %select_n3A_359 = arith.constant true
      %select_n3A_360 = arith.constant 0 : i32
      %select_n3A_361 = arith.constant -1 : i32
      %select_n3A_362 = arith.select %select_n3A_359, %select_n3A_361, %select_n3A_360 : i32
      %eq3A_363 = arith.constant -1 : i32
      %eq3A_364 = arith.cmpi eq, %select_n3A_362, %eq3A_363 : i32
      %select_n3A_365 = arith.constant 0 : i32
      %select_n3A_366 = arith.select %eq3A_364, %select_n3A_365, %select_n3A_362 : i32
      %add3A_367 = arith.constant 0 : i32
      %add3A_368 = arith.addi %add3A_367, %mul3A_6 : i32
      %select_n3A_369 = arith.constant true
      %select_n3A_370 = arith.constant 0 : i32
      %select_n3A_371 = arith.constant 1 : i32
      %select_n3A_372 = arith.select %select_n3A_369, %select_n3A_371, %select_n3A_370 : i32
      %eq3A_373 = arith.constant 1 : i32
      %eq3A_374 = arith.cmpi eq, %select_n3A_372, %eq3A_373 : i32
      %select_n3A_375 = arith.constant 0 : i32
      %select_n3A_376 = arith.select %eq3A_374, %select_n3A_375, %select_n3A_372 : i32
      %add3A_377 = arith.constant 0 : i32
      %add3A_378 = arith.addi %add3A_377, %mul3A_6 : i32
      %select_n3A_379 = arith.constant true
      %select_n3A_380 = arith.constant 0 : i32
      %select_n3A_381 = arith.constant 1 : i32
      %select_n3A_382 = arith.select %select_n3A_379, %select_n3A_381, %select_n3A_380 : i32
      %eq3A_383 = arith.constant 1 : i32
      %eq3A_384 = arith.cmpi eq, %select_n3A_382, %eq3A_383 : i32
      %select_n3A_385 = arith.constant 0 : i32
      %select_n3A_386 = arith.select %eq3A_384, %select_n3A_385, %select_n3A_382 : i32
      %add3A_387 = arith.constant 0 : i32
      %add3A_388 = arith.addi %add3A_387, %mul3A_6 : i32
      tpu.yield
    }) : () -> ()
    return
  }
}

</mosaic_0001>

<sc_bundles>
// kernel: _sc_dispatch.3.cloned.1.call-start
scs
__scs_entry_jumppad:
0x0: {  	(pc) =	sbr.rel $0x88, $3  }
0x1: {  	(tag) =	ssettag $0x0;
	lr =	simm.s32 $0x1  }
0x2: {  	[smem:$0x3F9D] =	sst lr;
	_ =	strace $0xD0000000  }
0x3: {  	_ = 	snop  }
0x4: {  	_ = 	snop  }
0x5: {  	_ = 	snop  }
0x6: {  	_ = 	snop  }
0x7: {  	_ = 	snop  }
__scs_overlays_trampoline_lowered:
0x8: {  	[smem:$0x3FAC] =	sst s0  }
0x9: {  	[smem:$0x3FAD] =	sst s1  }
0xa: {  	[smem:$0x3FAE] =	sst s2  }
0xb: {  	[smem:$0x3FAF] =	sst s3  }
0xc: {  	[smem:$0x3FB0] =	sst s4  }
0xd: {  	[smem:$0x3FB1] =	sst s5  }
0xe: {  	[smem:$0x3FB2] =	sst s6  }
0xf: {  	[smem:$0x3FB3] =	sst s7  }
0x10: {  	[smem:$0x3FB4] =	sst s8  }
0x11: {  	[smem:$0x3FB5] =	sst s9;
	s0 =	simm.s32 @!p0 $0x0  }
0x12: {  	s1 =	sld [smem:$0x3F9B];
	s0 =	simm.s32 @p0 $0x1  }
0x13: {  	[smem:$0x3FB6] =	sst s0;
	s0 =	simm.s32 @!p1 $0x0  }
0x14: {  	s2 =	sld [smem:$0x3F9A];
	s0 =	simm.s32 @p1 $0x1  }
0x15: {  	[smem:$0x3FB7] =	sst s0;
	s0 =	simm.s32 @!p2 $0x0  }
0x16: {  	s3 =	sld [smem:$0x3FDB];
	s0 =	simm.s32 @p2 $0x1  }
0x17: {  	s4 =	simm.s32 $0x1BF5;
	[smem:$0x3FB9] =	sst s0  }
0x18: {  	s0 =	sld [smem:$0x3F9C];
	_ =	swait.ge [sflag:s4], $0x0  }
0x19: {  	s7 =	sld [smem:$0x3F9D]  }
0x1a: {  	s8 =	sadd.s32 $0xFFFFE003, lr  }
0x1b: {  	s9 =	sadd.s32 $0xFFFFFEF7, lr;
	s5 =	simm.s32 $0xFFFFFFFF;
	p2 =	slt.u32 s8, $0xFFFFF086  }
0x1c: {  	p1 =	slt.u32 s9, $0xF7A;
	s5 =	simm.s32 @!p2 $0x0  }
0x1d: {  	s5 =	simm.s32 @p1 $0x1;
	p0 =	seq.s32 s7, s2  }
0x1e: {  	s7 =	smul.u32 @!p0 $0xF7A, s2;
	p2 =	seq.s32 @!p0 s5, $0x0  }
0x1f: {  	s9 =	smul.u32 $0xF7A, s1;
	s8 =	simm.s32 @!p0 $0x1BF5;
	p2 =	por !p2, p0  }
0x20: {  	[sflag:s8] =	ssyncset.s32 @!p0 $0xFFFFF086;
	s6 =	sadd.s32 @!p0 s3, s7;
	s7 =	simm.s32 @!p0 $0x108  }
0x21: {  	s3 =	sadd.s32 s3, s9;
	s6 =	sadd.s32 @!p0 $0x88, s6;
	s7 =	simm.s32 @p2 $0x1082  }
0x22: {  	[simem:s7], [sflag:s8] =	dma.local @!p0 [hbm:s6], $0xF7A  }
0x23: {  	s9 =	sor.u32 $0xD0000000, s2;
	s6 =	simm.s32 $0x108;
	_ =	swait.ge @!p0 [sflag:s8], $0x0  }
0x24: {  	s3 =	sadd.s32 $0x88, s3;
	s6 =	simm.s32 @!p1 $0x1082;
	[sflag:s4] =	ssyncset.s32 $0xFFFFF086  }
0x25: {  	[simem:s6], [sflag:s4] =	dma.local [hbm:s3], $0xF7A  }
0x26: {  	[smem:$0x3F9D] =	sst s1;
	(tag) =	ssettag s2;
	_ =	strace s9  }
0x27: {  	s1 =	sld [smem:$0x3FAD]  }
0x28: {  	s2 =	sld [smem:$0x3FAE]  }
0x29: {  	s4 =	sld [smem:$0x3FB0]  }
0x2a: {  	p0 =	seq.s32 s5, $0x0;
	s5 =	sld [smem:$0x3FB1]  }
0x2b: {  	s6 =	sld [smem:$0x3FB2]  }
0x2c: {  	s7 =	sld [smem:$0x3FB3]  }
0x2d: {  	s3 =	simm.s32 $0x108;
	s8 =	sld [smem:$0x3FB4]  }
0x2e: {  	s3 =	simm.s32 @!p0 $0x1082;
	s9 =	sld [smem:$0x3FB5]  }
0x2f: {  	lr =	sadd.s32 s0, s3;
	s0 =	sld [smem:$0x3FAC]  }
0x30: {  	s3 =	sld [smem:$0x3FAF]  }
0x31: {  	[smem:$0x3FB8] =	sst s10  }
0x32: {  	s10 =	sld [smem:$0x3FB6];
	_ =	sdelay $0x3  }
0x33: {  	p0 =	seq.s32 s10, $0x1;
	s10 =	sld [smem:$0x3FB8];
	_ =	sdelay $0x3  }
0x34: {  	[smem:$0x3FB8] =	sst s10  }
0x35: {  	s10 =	sld [smem:$0x3FB7];
	_ =	sdelay $0x3  }
0x36: {  	p1 =	seq.s32 s10, $0x1;
	s10 =	sld [smem:$0x3FB8];
	_ =	sdelay $0x3  }
0x37: {  	[smem:$0x3FB8] =	sst s10  }
0x38: {  	s10 =	sld [smem:$0x3FB9]  }
0x39: {  	_ = 	snop;
	(pc) =	sbr.ind lr, $3  }
0x3a: {  	_ = 	snop  }
0x3b: {  	_ = 	snop  }
0x3c: {  	p2 =	seq.s32 s10, $0x1;
	s10 =	sld [smem:$0x3FB8]  }
0x3d: {  	_ =	shalt  }
0x3e: {  	_ =	shalt  }
0x3f: {  	_ =	shalt  }
0x40: {  	_ =	shalt  }
0x41: {  	_ =	shalt  }
0x42: {  	_ =	shalt  }
0x43: {  	_ =	shalt  }
0x44: {  	_ =	shalt  }
0x45: {  	_ =	shalt  }
0x46: {  	_ =	shalt  }
0x47: {  	_ =	shalt  }
0x48: {  	_ =	shalt  }
0x49: {  	_ =	shalt  }
0x4a: {  	_ =	shalt  }
0x4b: {  	_ =	shalt  }
0x4c: {  	_ =	shalt  }
0x4d: {  	_ =	shalt  }
0x4e: {  	_ =	shalt  }
0x4f: {  	_ =	shalt  }
0x50: {  	_ =	shalt  }
0x51: {  	_ =	shalt  }
0x52: {  	_ =	shalt  }
0x53: {  	_ =	shalt  }
0x54: {  	_ =	shalt  }
0x55: {  	_ =	shalt  }
0x56: {  	_ =	shalt  }
0x57: {  	_ =	shalt  }
0x58: {  	_ =	shalt  }
0x59: {  	_ =	shalt  }
0x5a: {  	_ =	shalt  }
0x5b: {  	_ =	shalt  }
0x5c: {  	_ =	shalt  }
0x5d: {  	_ =	shalt  }
0x5e: {  	_ =	shalt  }
0x5f: {  	_ =	shalt  }
0x60: {  	_ =	shalt  }
0x61: {  	_ =	shalt  }
0x62: {  	_ =	shalt  }
0x63: {  	_ =	shalt  }
0x64: {  	_ =	shalt  }
0x65: {  	_ =	shalt  }
0x66: {  	_ =	shalt  }
0x67: {  	_ =	shalt  }
0x68: {  	_ =	shalt  }
0x69: {  	_ =	shalt  }
0x6a: {  	_ =	shalt  }
0x6b: {  	_ =	shalt  }
0x6c: {  	_ =	shalt  }
0x6d: {  	_ =	shalt  }
0x6e: {  	_ =	shalt  }
0x6f: {  	_ =	shalt  }
0x70: {  	_ =	shalt  }
0x71: {  	_ =	shalt  }
0x72: {  	_ =	shalt  }
0x73: {  	_ =	shalt  }
0x74: {  	_ =	shalt  }
0x75: {  	_ =	shalt  }
0x76: {  	_ =	shalt  }
0x77: {  	_ =	shalt  }
0x78: {  	_ =	shalt  }
0x79: {  	_ =	shalt  }
0x7a: {  	_ =	shalt  }
0x7b: {  	_ =	shalt  }
0x7c: {  	_ =	shalt  }
0x7d: {  	_ =	shalt  }
0x7e: {  	_ =	shalt  }
0x7f: {  	_ =	shalt  }
0x80: {  	_ =	shalt  }
0x81: {  	_ =	shalt  }
0x82: {  	_ =	shalt  }
0x83: {  	_ =	shalt  }
0x84: {  	_ =	shalt  }
0x85: {  	_ =	shalt  }
0x86: {  	_ =	shalt  }
0x87: {  	_ =	shalt  }
.Lfunc_end0:
.L_simem_size_0:
called_computation_lowered:
.L_overlay_start_0:
0x88: {  	s2 =	sld [smem:$0x3FD9]  }
0x89: {  	s3 =	sld [smem:$0x3FFE];
	_ =	sdelay $0x1  }
0x8a: {  	s1 =	srdreg.scid  }
0x8b: {  	s0 =	sand.u32 $0x1, s1  }
0x8c: {  	s18 =	sshll.u32 s0, $0xA;
	s2 =	sadd.s32 s3, s2  }
0x8d: {  	s2 =	sadd.s32 s2, s18  }
0x8e: {  	[smem:$0x3FC4] =	sst s2  }
0x8f: {  	_ = 	snop  }
0x90: {  	s2 =	sld [smem:$0x3FC9]  }
0x91: {  	s19 =	sld [smem:$0x3FC8]  }
0x92: {  	s4 =	sld [smem:$0x3FC7]  }
0x93: {  	s5 =	sld [smem:$0x3FC6]  }
0x94: {  	s6 =	sld [smem:$0x3FD0];
	(tm) =	ssettm $0x1  }
0x95: {  	s7 =	sld [smem:$0x3FFB];
	_ =	sdelay $0x3  }
0x96: {  	_ =	strace s7  }
0x97: {  	s7 =	sld [smem:$0x3FFC];
	_ =	sdelay $0x3  }
0x98: {  	_ =	strace s7  }
0x99: {  	s7 =	sld [smem:$0x3FFD];
	_ =	sdelay $0x3  }
0x9a: {  	_ =	strace s7  }
0x9b: {  	_ =	strace $0x8FFFFFFF  }
0x9c: {  	s20 =	sld [smem:$0x3FDB];
	_ =	sdelay $0x1  }
0x9d: {  	s8 =	simm.s32 $_scs_section_size  }
0x9e: {  	s9 =	simm.s32 $_size__tile_overlayer_lowered;
	s10 =	simm.s32 $_tile_overlayer_lowered  }
0x9f: {  	s23 =	simm.s32 $0x1BFF;
	s22 =	sshll.u32 s10, $0x1;
	s7 =	sadd.s32 s8, s20  }
0xa0: {  	s11 =	simm.s32 $0x0;
	s21 =	sshll.u32 s9, $0x1;
	s9 =	sadd.s32 s22, s7  }
0xa1: {  	[timem:s11], [sflag:s23] =	dma.local [hbm:s9], s21  }
0xa2: {  	_ =	swait.ge [sflag:s23], s21  }
0xa3: {  	s8 =	ssub.s32 $0x0, s21;
	[sflag:s23] =	ssyncset.done $0x0  }
0xa4: {  	[sflag:s23] =	ssyncadd.s32 s8;
	_ =	sdelay $0x1  }
0xa5: {  	s24 =	simm.s32 $0x1B8B  }
0xa6: {  	_ =	swait.ge [sflag:s24], $0x1  }
0xa7: {  	[sflag:s24] =	ssyncset.done $0x0  }
0xa8: {  	s25 =	simm.s32 $0x1B8E;
	[sflag:s24] =	ssyncadd.s32 $0xFFFFFFFF  }
0xa9: {  	s26 =	simm.s32 $execute0_lowered;
	[smem:$0x3FD2] =	sst s25  }
0xaa: {  	s8 =	sshll.u32 s26, $0x1;
	_ =	strace $0x80000046;
	[dreg:$0x1] =	wrdreg $0xFFFFFFFF  }
0xab: {  	s28 =	simm.s32 $_size_execute0_lowered;
	s7 =	sadd.s32 s7, s8;
	[dreg:$0x0] =	wrdreg $0x0  }
0xac: {  	s8 =	sshll.u32 s28, $0x1;
	[dreg:$0x2] =	wrdreg s7  }
0xad: {  	[dreg:$0x3] =	wrdreg s8  }
0xae: {  	[dreg:$0x4] =	wrdreg $0xC0  }
0xaf: {  	_ =	task [dreg:s11], $0x5FFFF  }
0xb0: {  	[dreg:$0x1] =	wrdreg $0xFFFFFFFF  }
0xb1: {  	[dreg:$0x0] =	wrdreg $0x60  }
0xb2: {  	[dreg:$0x2] =	wrdreg s2  }
0xb3: {  	[dreg:$0x3] =	wrdreg s19  }
0xb4: {  	[dreg:$0x4] =	wrdreg s4  }
0xb5: {  	[dreg:$0x5] =	wrdreg s5  }
0xb6: {  	[dreg:$0x6] =	wrdreg s6  }
0xb7: {  	[dreg:$0x7] =	wrdreg $0x9  }
0xb8: {  	_ =	task.clear_ibuf [dreg:s11], $0x8FFFF;
	_ =	strace $0x90000046  }
0xb9: {  	s29 =	simm.s32 $0x9;
	_ =	strace $0x8000004D  }
0xba: {  	_ =	swait.ge [sflag:s29], $0x1  }
0xbb: {  	[sflag:s29] =	ssyncadd.s32 $0xFFFFFFFF  }
0xbc: {  	_ =	strace $0x9000004D  }
0xbd: {  	_ =	sfence  }
0xbe: {  	s30 =	sld [smem:$0x0];
	_ =	sdelay $0x2  }
0xbf: {  	s31 =	sshll.u32 s1, $0xD;
	s1 =	sshrl.u32 s1, $0x2  }
0xc0: {  	s3 =	sand.u32 $0x4000, s31;
	s1 =	sadd.s32 s1, s30  }
0xc1: {  	s0 =	sor.u32 s3, s0;
	s1 =	sshll.u32 s1, $0x11  }
0xc2: {  	s0 =	sor.u32 s1, s0  }
0xc3: {  	s0 =	sadd.s32 $0x8F2B, s0  }
0xc4: {  	[sflag:s0] =	ssyncadd.remote.s32 $0x1  }
0xc5: {  	_ =	sfence.sel $0xFFFF  }
0xc6: {  	[dreg:$0x0] =	wrdreg $0xFFFFFFFF;
	(pc) =	sbr.abs _section_cstart, $3  }
0xc7: {  	[dreg:$0x1] =	wrdreg $0xFFFFFFFF  }
0xc8: {  	_ =	task.clear_ibuf [dreg:s11], $0x2FFFF;
	_ =	strace $0x9FFFFFFF  }
0xc9: {  	(tm) =	ssettm $0x7FFFFFFF  }
tec
execute0_lowered:
.L_overlay_start_1:
0x0: {  	(tag) =	ssettag $0x1  }
0x1: {  	s1 =	rddreg [dreg:$0x0]  }
0x2: {  	s0 =	rddreg [dreg:$0x1]  }
0x3: {  	s2 =	rddreg [dreg:$0x2]  }
0x4: {  	s5 =	rddreg [dreg:$0x3]  }
0x5: {  	s3 =	rddreg [dreg:$0x4]  }
0x6: {  	s4 =	srdreg.scid;
	s8 =	stileid.u32  }
0x7: {  	s28 =	simm.s32 $0x10000;
	s29 =	simm.s32 $0x10100;
	s30 =	simm.s32 $0x10200  }
0x8: {  	s6 =	sand.u32 $0x1, s4;
	s4 =	simm.s32 $0x0;
	s8 =	sshll.u32 s8, $0x4  }
0x9: {  	s9 =	sadd.s32 $0x200, s3;
	s10 =	sadd.s32 $0x300, s3;
	[smem:$0x7FF] =	sst s4  }
0xa: {  	s7 =	sshll.u32 s6, $0x8;
	_ =	strace $0x80000047;
	[dreg:$0x9] =	wrdreg s28  }
0xb: {  	s6 =	ssub.s32 $0x2, s6;
	s7 =	sor.u32 s8, s7;
	[dreg:$0xa] =	wrdreg s29  }
0xc: {  	s25 =	sshrl.u32 s6, $0x1;
	s8 =	sadd.s32 $0x100, s3;
	[dreg:$0xb] =	wrdreg s30  }
0xd: {  	s0 =	sadd.s32 s0, s7;
	s24 =	sadd.s32 s2, s7;
	s26 =	sadd.s32 s5, s7  }
0xe: {  	v2 =	vlaneseq.u32;
	s2 =	ssub.s32 s6, s25;
	s5 =	sadd.s32 $0x100, s1;
	[dreg:$0x6] =	wrdreg s0  }
0xf: {  	vm0 =	vmmov $0xffff;
	v1 =	vshrl.u32 v2, $0x3;
	s6 =	sadd.s32 $0x200, s1;
	s7 =	sadd.s32 $0x300, s1;
	[dreg:$0x7] =	wrdreg s24  }
0x10: {  	v0 =	vand.u32 $0x7, v2;
	v2 =	vor.u32 $0x8, v2;
	v1 =	vmul.u32 $0x8, v1;
	s25 =	simm.s32 $0x7;
	[dreg:$0x8] =	wrdreg s26;
	s31 =	smax.u32 s2, $0x1  }
.LBB2_1:
0x11: {  	_ =	strace $0x80000048  }
0x12: {  	s26 =	rddreg [dreg:$0x6]  }
0x13: {  	s28 =	rddreg [dreg:$0x9]  }
0x14: {  	s21 =	rddreg [dreg:$0x7]  }
0x15: {  	s22 =	rddreg [dreg:$0xa]  }
0x16: {  	[tilespmem:s28], [sflag:$0x1] =	stream.linear.gather [hbm4b:s26+s4], $0x80, $0x200038;
	[tilespmem:$0x10300] =	vst v63  }
0x17: {  	s29 =	rddreg [dreg:$0x8]  }
0x18: {  	[tilespmem:s22], [sflag:$0x3] =	stream.linear.gather [hbm4b:s21+s4], $0x80, $0x200038;
	[tilespmem:$0x10300] =	vst v63  }
0x19: {  	s30 =	rddreg [dreg:$0xb]  }
0x1a: {  	[tilespmem:s30], [sflag:$0x5] =	stream.linear.gather [hbm4b:s29+s4], $0x80, $0x200038;
	[tilespmem:$0x10300] =	vst v63  }
0x1b: {  	_ =	strace $0x90000048  }
0x1c: {  	s23 =	simm.s32 $0x1;
	_ =	strace $0x80000049  }
0x1d: {  	_ =	swait.ge [sflag:s23], $0x80  }
0x1e: {  	[sflag:s23] =	ssyncset.done $0x0  }
0x1f: {  	[sflag:s23] =	ssyncadd.s32 $0xFFFFFF80  }
0x20: {  	_ =	strace $0x90000049  }
0x21: {  	s24 =	simm.s32 $0x3;
	_ =	strace $0x8000004A  }
0x22: {  	_ =	swait.ge [sflag:s24], $0x80  }
0x23: {  	[sflag:s24] =	ssyncset.done $0x0  }
0x24: {  	[sflag:s24] =	ssyncadd.s32 $0xFFFFFF80  }
0x25: {  	_ =	strace $0x9000004A  }
0x26: {  	s28 =	simm.s32 $0x5;
	_ =	strace $0x8000004B  }
0x27: {  	_ =	swait.ge [sflag:s28], $0x80  }
0x28: {  	[sflag:s28] =	ssyncset.done $0x0  }
0x29: {  	[sflag:s28] =	ssyncadd.s32 $0xFFFFFF80  }
0x2a: {  	_ =	strace $0x9000004B  }
0x2b: {  	_ =	strace $0x8000004C  }
0x2c: {  	v3 =	vld [tilespmem:$0x10000];
	_ =	sdelay $0x4  }
0x2d: {  	v4 =	vshll.u32 v3, $0x3  }
0x2e: {  	v3 =	vand.u32 $0x7, v3;
	v4 =	vand.u32 $0xFFFFFFC0, v4  }
0x2f: {  	v3 =	vor.u32 v3, v4  }
0x30: {  	v4 =	vperm.xlane v3, v0;
	_ =	sdelay $0x1  }
0x31: {  	v4 =	vadd.s32 v1, v4;
	_ =	sdelay $0x4  }
0x32: {  	[tilespmem:s4], [sflag:$0x7] =	stream.indirect_vreg.gather [hbm4b:s1+s4], $0x80, v4, vm0, $0x2000b8;
	[tilespmem:$0x10300] =	vst v63  }
0x33: {  	s0 =	simm.s32 $0x800;
	v3 =	vperm.xlane v3, v2  }
0x34: {  	[tilespmem:s0], [sflag:$0x7] =	stream.indirect_vreg.gather [hbm4b:s5+s4], $0x80, v4, vm0, $0x2000b8;
	[tilespmem:$0x10300] =	vst v63  }
0x35: {  	s29 =	simm.s32 $0x1000;
	v3 =	vadd.s32 v1, v3  }
0x36: {  	[tilespmem:s29], [sflag:$0x7] =	stream.indirect_vreg.gather [hbm4b:s6+s4], $0x80, v4, vm0, $0x2000b8;
	[tilespmem:$0x10300] =	vst v63  }
0x37: {  	s30 =	simm.s32 $0x1800  }
0x38: {  	[tilespmem:s30], [sflag:$0x7] =	stream.indirect_vreg.gather [hbm4b:s7+s4], $0x80, v4, vm0, $0x2000b8;
	[tilespmem:$0x10300] =	vst v63  }
0x39: {  	s2 =	simm.s32 $0x2000  }
0x3a: {  	[tilespmem:s2], [sflag:$0x7] =	stream.indirect_vreg.gather [hbm4b:s1+s4], $0x80, v3, vm0, $0x2000b8;
	[tilespmem:$0x10300] =	vst v63  }
0x3b: {  	s11 =	simm.s32 $0x2800  }
0x3c: {  	[tilespmem:s11], [sflag:$0x7] =	stream.indirect_vreg.gather [hbm4b:s5+s4], $0x80, v3, vm0, $0x2000b8;
	[tilespmem:$0x10300] =	vst v63  }
0x3d: {  	s12 =	simm.s32 $0x3000  }
0x3e: {  	[tilespmem:s12], [sflag:$0x7] =	stream.indirect_vreg.gather [hbm4b:s6+s4], $0x80, v3, vm0, $0x2000b8;
	[tilespmem:$0x10300] =	vst v63  }
0x3f: {  	s13 =	simm.s32 $0x3800  }
0x40: {  	[tilespmem:s13], [sflag:$0x7] =	stream.indirect_vreg.gather [hbm4b:s7+s4], $0x80, v3, vm0, $0x2000b8;
	[tilespmem:$0x10300] =	vst v63  }
0x41: {  	v3 =	vld [tilespmem:$0x10010];
	_ =	sdelay $0x4  }
0x42: {  	v41 =	vshll.u32 v3, $0x3  }
0x43: {  	v3 =	vand.u32 $0x7, v3;
	v4 =	vand.u32 $0xFFFFFFC0, v41  }
0x44: {  	v3 =	vor.u32 v3, v4  }
0x45: {  	v4 =	vperm.xlane v3, v0;
	_ =	sdelay $0x1  }
0x46: {  	v4 =	vadd.s32 v1, v4;
	_ =	sdelay $0x3  }
0x47: {  	s14 =	simm.s32 $0x4000  }
0x48: {  	[tilespmem:s14], [sflag:$0x7] =	stream.indirect_vreg.gather [hbm4b:s1+s4], $0x80, v4, vm0, $0x2000b8;
	[tilespmem:$0x10300] =	vst v63  }
0x49: {  	s15 =	simm.s32 $0x4800;
	v3 =	vperm.xlane v3, v2  }
0x4a: {  	[tilespmem:s15], [sflag:$0x7] =	stream.indirect_vreg.gather [hbm4b:s5+s4], $0x80, v4, vm0, $0x2000b8;
	[tilespmem:$0x10300] =	vst v63  }
0x4b: {  	s16 =	simm.s32 $0x5000;
	v3 =	vadd.s32 v1, v3  }
0x4c: {  	[tilespmem:s16], [sflag:$0x7] =	stream.indirect_vreg.gather [hbm4b:s6+s4], $0x80, v4, vm0, $0x2000b8;
	[tilespmem:$0x10300] =	vst v63  }
0x4d: {  	s17 =	simm.s32 $0x5800  }
0x4e: {  	[tilespmem:s17], [sflag:$0x7] =	stream.indirect_vreg.gather [hbm4b:s7+s4], $0x80, v4, vm0, $0x2000b8;
	[tilespmem:$0x10300] =	vst v63  }
0x4f: {  	s19 =	simm.s32 $0x6000  }
0x50: {  	[tilespmem:s19], [sflag:$0x7] =	stream.indirect_vreg.gather [hbm4b:s1+s4], $0x80, v3, vm0, $0x2000b8;
	[tilespmem:$0x10300] =	vst v63  }
0x51: {  	s22 =	simm.s32 $0x6800  }
0x52: {  	[tilespmem:s22], [sflag:$0x7] =	stream.indirect_vreg.gather [hbm4b:s5+s4], $0x80, v3, vm0, $0x2000b8;
	[tilespmem:$0x10300] =	vst v63  }
0x53: {  	s23 =	simm.s32 $0x7000  }
0x54: {  	[tilespmem:s23], [sflag:$0x7] =	stream.indirect_vreg.gather [hbm4b:s6+s4], $0x80, v3, vm0, $0x2000b8;
	[tilespmem:$0x10300] =	vst v63  }
0x55: {  	s24 =	simm.s32 $0x7800  }
0x56: {  	[tilespmem:s24], [sflag:$0x7] =	stream.indirect_vreg.gather [hbm4b:s7+s4], $0x80, v3, vm0, $0x2000b8;
	[tilespmem:$0x10300] =	vst v63  }
0x57: {  	v3 =	vld [tilespmem:$0x10020];
	_ =	sdelay $0x4  }
0x58: {  	v42 =	vshll.u32 v3, $0x3  }
0x59: {  	v3 =	vand.u32 $0x7, v3;
	v4 =	vand.u32 $0xFFFFFFC0, v42  }
0x5a: {  	v3 =	vor.u32 v3, v4  }
0x5b: {  	v4 =	vperm.xlane v3, v0;
	_ =	sdelay $0x1  }
0x5c: {  	v4 =	vadd.s32 v1, v4;
	_ =	sdelay $0x3  }
0x5d: {  	s28 =	simm.s32 $0x8000  }
0x5e: {  	[tilespmem:s28], [sflag:$0x7] =	stream.indirect_vreg.gather [hbm4b:s1+s4], $0x80, v4, vm0, $0x2000b8;
	[tilespmem:$0x10300] =	vst v63  }
0x5f: {  	s29 =	simm.s32 $0x8800;
	v3 =	vperm.xlane v3, v2  }
0x60: {  	[tilespmem:s29], [sflag:$0x7] =	stream.indirect_vreg.gather [hbm4b:s5+s4], $0x80, v4, vm0, $0x2000b8;
	[tilespmem:$0x10300] =	vst v63  }
0x61: {  	s30 =	simm.s32 $0x9000;
	v3 =	vadd.s32 v1, v3  }
0x62: {  	[tilespmem:s30], [sflag:$0x7] =	stream.indirect_vreg.gather [hbm4b:s6+s4], $0x80, v4, vm0, $0x2000b8;
	[tilespmem:$0x10300] =	vst v63  }
0x63: {  	s12 =	simm.s32 $0x9800  }
0x64: {  	[tilespmem:s12], [sflag:$0x7] =	stream.indirect_vreg.gather [hbm4b:s7+s4], $0x80, v4, vm0, $0x2000b8;
	[tilespmem:$0x10300] =	vst v63  }
0x65: {  	s13 =	simm.s32 $0xA000  }
0x66: {  	[tilespmem:s13], [sflag:$0x7] =	stream.indirect_vreg.gather [hbm4b:s1+s4], $0x80, v3, vm0, $0x2000b8;
	[tilespmem:$0x10300] =	vst v63  }
0x67: {  	s19 =	simm.s32 $0xA800  }
0x68: {  	[tilespmem:s19], [sflag:$0x7] =	stream.indirect_vreg.gather [hbm4b:s5+s4], $0x80, v3, vm0, $0x2000b8;
	[tilespmem:$0x10300] =	vst v63  }
0x69: {  	s28 =	simm.s32 $0xB000  }
0x6a: {  	[tilespmem:s28], [sflag:$0x7] =	stream.indirect_vreg.gather [hbm4b:s6+s4], $0x80, v3, vm0, $0x2000b8;
	[tilespmem:$0x10300] =	vst v63  }
0x6b: {  	s29 =	simm.s32 $0xB800  }
0x6c: {  	[tilespmem:s29], [sflag:$0x7] =	stream.indirect_vreg.gather [hbm4b:s7+s4], $0x80, v3, vm0, $0x2000b8;
	[tilespmem:$0x10300] =	vst v63  }
0x6d: {  	v3 =	vld [tilespmem:$0x10030];
	_ =	sdelay $0x4  }
0x6e: {  	v43 =	vshll.u32 v3, $0x3  }
0x6f: {  	v3 =	vand.u32 $0x7, v3;
	v4 =	vand.u32 $0xFFFFFFC0, v43  }
0x70: {  	v3 =	vor.u32 v3, v4  }
0x71: {  	v4 =	vperm.xlane v3, v0;
	_ =	sdelay $0x1  }
0x72: {  	v4 =	vadd.s32 v1, v4;
	_ =	sdelay $0x3  }
0x73: {  	s30 =	simm.s32 $0xC000  }
0x74: {  	[tilespmem:s30], [sflag:$0x7] =	stream.indirect_vreg.gather [hbm4b:s1+s4], $0x80, v4, vm0, $0x2000b8;
	[tilespmem:$0x10300] =	vst v63  }
0x75: {  	s12 =	simm.s32 $0xC800;
	v3 =	vperm.xlane v3, v2  }
0x76: {  	[tilespmem:s12], [sflag:$0x7] =	stream.indirect_vreg.gather [hbm4b:s5+s4], $0x80, v4, vm0, $0x2000b8;
	[tilespmem:$0x10300] =	vst v63  }
0x77: {  	s13 =	simm.s32 $0xD000;
	v3 =	vadd.s32 v1, v3  }
0x78: {  	[tilespmem:s13], [sflag:$0x7] =	stream.indirect_vreg.gather [hbm4b:s6+s4], $0x80, v4, vm0, $0x2000b8;
	[tilespmem:$0x10300] =	vst v63  }
0x79: {  	s19 =	simm.s32 $0xD800  }
0x7a: {  	[tilespmem:s19], [sflag:$0x7] =	stream.indirect_vreg.gather [hbm4b:s7+s4], $0x80, v4, vm0, $0x2000b8;
	[tilespmem:$0x10300] =	vst v63  }
0x7b: {  	s28 =	simm.s32 $0xE000  }
0x7c: {  	[tilespmem:s28], [sflag:$0x7] =	stream.indirect_vreg.gather [hbm4b:s1+s4], $0x80, v3, vm0, $0x2000b8;
	[tilespmem:$0x10300] =	vst v63  }
0x7d: {  	s29 =	simm.s32 $0xE800  }
0x7e: {  	[tilespmem:s29], [sflag:$0x7] =	stream.indirect_vreg.gather [hbm4b:s5+s4], $0x80, v3, vm0, $0x2000b8;
	[tilespmem:$0x10300] =	vst v63  }
0x7f: {  	s30 =	simm.s32 $0xF000  }
0x80: {  	[tilespmem:s30], [sflag:$0x7] =	stream.indirect_vreg.gather [hbm4b:s6+s4], $0x80, v3, vm0, $0x2000b8;
	[tilespmem:$0x10300] =	vst v63  }
0x81: {  	s19 =	simm.s32 $0xF800  }
0x82: {  	[tilespmem:s19], [sflag:$0x7] =	stream.indirect_vreg.gather [hbm4b:s7+s4], $0x80, v3, vm0, $0x2000b8;
	[tilespmem:$0x10300] =	vst v63  }
0x83: {  	_ =	swait.ge [sflag:s25], $0x10000  }
0x84: {  	[sflag:s25] =	ssyncset.done $0x0  }
0x85: {  	[sflag:s25] =	ssyncadd.s32 $0xFFFF0000  }
0x86: {  	v3 =	vld [tilespmem:$0x10100];
	_ =	sdelay $0x4  }
0x87: {  	v44 =	vshll.u32 v3, $0x3  }
0x88: {  	v3 =	vand.u32 $0x7, v3;
	v4 =	vand.u32 $0xFFFFFFC0, v44  }
0x89: {  	v3 =	vor.u32 v3, v4  }
0x8a: {  	v4 =	vperm.xlane v3, v0;
	_ =	sdelay $0x1  }
0x8b: {  	v4 =	vadd.s32 v1, v4;
	_ =	sdelay $0x4  }
0x8c: {  	[hbm4b:s3+s4] =	stream.indirect_vreg.scatter [tilespmem:s4], [sflag:$0x7], $0x80, v4, vm0, $0x2000b8;
	[tilespmem:$0x10300] =	vst v63  }
0x8d: {  	s18 =	simm.s32 $0x800;
	v3 =	vperm.xlane v3, v2  }
0x8e: {  	[hbm4b:s8+s4] =	stream.indirect_vreg.scatter [tilespmem:s18], [sflag:$0x7], $0x80, v4, vm0, $0x2000b8;
	[tilespmem:$0x10300] =	vst v63  }
0x8f: {  	s20 =	simm.s32 $0x1000;
	v3 =	vadd.s32 v1, v3  }
0x90: {  	[hbm4b:s9+s4] =	stream.indirect_vreg.scatter [tilespmem:s20], [sflag:$0x7], $0x80, v4, vm0, $0x2000b8;
	[tilespmem:$0x10300] =	vst v63  }
0x91: {  	s21 =	simm.s32 $0x1800  }
0x92: {  	[hbm4b:s10+s4] =	stream.indirect_vreg.scatter [tilespmem:s21], [sflag:$0x7], $0x80, v4, vm0, $0x2000b8;
	[tilespmem:$0x10300] =	vst v63  }
0x93: {  	s26 =	simm.s32 $0x2000  }
0x94: {  	[hbm4b:s3+s4] =	stream.indirect_vreg.scatter [tilespmem:s26], [sflag:$0x7], $0x80, v3, vm0, $0x2000b8;
	[tilespmem:$0x10300] =	vst v63  }
0x95: {  	s11 =	simm.s32 $0x2800  }
0x96: {  	[hbm4b:s8+s4] =	stream.indirect_vreg.scatter [tilespmem:s11], [sflag:$0x7], $0x80, v3, vm0, $0x2000b8;
	[tilespmem:$0x10300] =	vst v63  }
0x97: {  	s11 =	simm.s32 $0x3000  }
0x98: {  	[hbm4b:s9+s4] =	stream.indirect_vreg.scatter [tilespmem:s11], [sflag:$0x7], $0x80, v3, vm0, $0x2000b8;
	[tilespmem:$0x10300] =	vst v63  }
0x99: {  	s18 =	simm.s32 $0x3800  }
0x9a: {  	[hbm4b:s10+s4] =	stream.indirect_vreg.scatter [tilespmem:s18], [sflag:$0x7], $0x80, v3, vm0, $0x2000b8;
	[tilespmem:$0x10300] =	vst v63  }
0x9b: {  	v3 =	vld [tilespmem:$0x10110];
	_ =	sdelay $0x4  }
0x9c: {  	v45 =	vshll.u32 v3, $0x3  }
0x9d: {  	v3 =	vand.u32 $0x7, v3;
	v4 =	vand.u32 $0xFFFFFFC0, v45  }
0x9e: {  	v3 =	vor.u32 v3, v4  }
0x9f: {  	v4 =	vperm.xlane v3, v0;
	_ =	sdelay $0x1  }
0xa0: {  	v4 =	vadd.s32 v1, v4;
	_ =	sdelay $0x3  }
0xa1: {  	s20 =	simm.s32 $0x4000  }
0xa2: {  	[hbm4b:s3+s4] =	stream.indirect_vreg.scatter [tilespmem:s20], [sflag:$0x7], $0x80, v4, vm0, $0x2000b8;
	[tilespmem:$0x10300] =	vst v63  }
0xa3: {  	s21 =	simm.s32 $0x4800;
	v3 =	vperm.xlane v3, v2  }
0xa4: {  	[hbm4b:s8+s4] =	stream.indirect_vreg.scatter [tilespmem:s21], [sflag:$0x7], $0x80, v4, vm0, $0x2000b8;
	[tilespmem:$0x10300] =	vst v63  }
0xa5: {  	s2 =	simm.s32 $0x5000;
	v3 =	vadd.s32 v1, v3  }
0xa6: {  	[hbm4b:s9+s4] =	stream.indirect_vreg.scatter [tilespmem:s2], [sflag:$0x7], $0x80, v4, vm0, $0x2000b8;
	[tilespmem:$0x10300] =	vst v63  }
0xa7: {  	s14 =	simm.s32 $0x5800  }
0xa8: {  	[hbm4b:s10+s4] =	stream.indirect_vreg.scatter [tilespmem:s14], [sflag:$0x7], $0x80, v4, vm0, $0x2000b8;
	[tilespmem:$0x10300] =	vst v63  }
0xa9: {  	s15 =	simm.s32 $0x6000  }
0xaa: {  	[hbm4b:s3+s4] =	stream.indirect_vreg.scatter [tilespmem:s15], [sflag:$0x7], $0x80, v3, vm0, $0x2000b8;
	[tilespmem:$0x10300] =	vst v63  }
0xab: {  	s16 =	simm.s32 $0x6800  }
0xac: {  	[hbm4b:s8+s4] =	stream.indirect_vreg.scatter [tilespmem:s16], [sflag:$0x7], $0x80, v3, vm0, $0x2000b8;
	[tilespmem:$0x10300] =	vst v63  }
0xad: {  	s17 =	simm.s32 $0x7000  }
0xae: {  	[hbm4b:s9+s4] =	stream.indirect_vreg.scatter [tilespmem:s17], [sflag:$0x7], $0x80, v3, vm0, $0x2000b8;
	[tilespmem:$0x10300] =	vst v63  }
0xaf: {  	s22 =	simm.s32 $0x7800  }
0xb0: {  	[hbm4b:s10+s4] =	stream.indirect_vreg.scatter [tilespmem:s22], [sflag:$0x7], $0x80, v3, vm0, $0x2000b8;
	[tilespmem:$0x10300] =	vst v63  }
0xb1: {  	v3 =	vld [tilespmem:$0x10120];
	_ =	sdelay $0x4  }
0xb2: {  	v46 =	vshll.u32 v3, $0x3  }
0xb3: {  	v3 =	vand.u32 $0x7, v3;
	v4 =	vand.u32 $0xFFFFFFC0, v46  }
0xb4: {  	v3 =	vor.u32 v3, v4  }
0xb5: {  	v4 =	vperm.xlane v3, v0;
	_ =	sdelay $0x1  }
0xb6: {  	v4 =	vadd.s32 v1, v4;
	_ =	sdelay $0x3  }
0xb7: {  	s23 =	simm.s32 $0x8000  }
0xb8: {  	[hbm4b:s3+s4] =	stream.indirect_vreg.scatter [tilespmem:s23], [sflag:$0x7], $0x80, v4, vm0, $0x2000b8;
	[tilespmem:$0x10300] =	vst v63  }
0xb9: {  	s24 =	simm.s32 $0x8800;
	v3 =	vperm.xlane v3, v2  }
0xba: {  	[hbm4b:s8+s4] =	stream.indirect_vreg.scatter [tilespmem:s24], [sflag:$0x7], $0x80, v4, vm0, $0x2000b8;
	[tilespmem:$0x10300] =	vst v63  }
0xbb: {  	s22 =	simm.s32 $0x9000;
	v3 =	vadd.s32 v1, v3  }
0xbc: {  	[hbm4b:s9+s4] =	stream.indirect_vreg.scatter [tilespmem:s22], [sflag:$0x7], $0x80, v4, vm0, $0x2000b8;
	[tilespmem:$0x10300] =	vst v63  }
0xbd: {  	s23 =	simm.s32 $0x9800  }
0xbe: {  	[hbm4b:s10+s4] =	stream.indirect_vreg.scatter [tilespmem:s23], [sflag:$0x7], $0x80, v4, vm0, $0x2000b8;
	[tilespmem:$0x10300] =	vst v63  }
0xbf: {  	s24 =	simm.s32 $0xA000  }
0xc0: {  	[hbm4b:s3+s4] =	stream.indirect_vreg.scatter [tilespmem:s24], [sflag:$0x7], $0x80, v3, vm0, $0x2000b8;
	[tilespmem:$0x10300] =	vst v63  }
0xc1: {  	s0 =	simm.s32 $0xA800  }
0xc2: {  	[hbm4b:s8+s4] =	stream.indirect_vreg.scatter [tilespmem:s0], [sflag:$0x7], $0x80, v3, vm0, $0x2000b8;
	[tilespmem:$0x10300] =	vst v63  }
0xc3: {  	s2 =	simm.s32 $0xB000  }
0xc4: {  	[hbm4b:s9+s4] =	stream.indirect_vreg.scatter [tilespmem:s2], [sflag:$0x7], $0x80, v3, vm0, $0x2000b8;
	[tilespmem:$0x10300] =	vst v63  }
0xc5: {  	s15 =	simm.s32 $0xB800  }
0xc6: {  	[hbm4b:s10+s4] =	stream.indirect_vreg.scatter [tilespmem:s15], [sflag:$0x7], $0x80, v3, vm0, $0x2000b8;
	[tilespmem:$0x10300] =	vst v63  }
0xc7: {  	v3 =	vld [tilespmem:$0x10130];
	_ =	sdelay $0x4  }
0xc8: {  	v47 =	vshll.u32 v3, $0x3  }
0xc9: {  	v3 =	vand.u32 $0x7, v3;
	v4 =	vand.u32 $0xFFFFFFC0, v47  }
0xca: {  	v3 =	vor.u32 v3, v4  }
0xcb: {  	v4 =	vperm.xlane v3, v0;
	_ =	sdelay $0x1  }
0xcc: {  	v4 =	vadd.s32 v1, v4;
	_ =	sdelay $0x3  }
0xcd: {  	s17 =	simm.s32 $0xC000  }
0xce: {  	[hbm4b:s3+s4] =	stream.indirect_vreg.scatter [tilespmem:s17], [sflag:$0x7], $0x80, v4, vm0, $0x2000b8;
	[tilespmem:$0x10300] =	vst v63  }
0xcf: {  	s16 =	simm.s32 $0xC800;
	v3 =	vperm.xlane v3, v2  }
0xd0: {  	[hbm4b:s8+s4] =	stream.indirect_vreg.scatter [tilespmem:s16], [sflag:$0x7], $0x80, v4, vm0, $0x2000b8;
	[tilespmem:$0x10300] =	vst v63  }
0xd1: {  	s12 =	simm.s32 $0xD000;
	v3 =	vadd.s32 v1, v3  }
0xd2: {  	[hbm4b:s9+s4] =	stream.indirect_vreg.scatter [tilespmem:s12], [sflag:$0x7], $0x80, v4, vm0, $0x2000b8;
	[tilespmem:$0x10300] =	vst v63  }
0xd3: {  	s12 =	simm.s32 $0xD800  }
0xd4: {  	[hbm4b:s10+s4] =	stream.indirect_vreg.scatter [tilespmem:s12], [sflag:$0x7], $0x80, v4, vm0, $0x2000b8;
	[tilespmem:$0x10300] =	vst v63  }
0xd5: {  	s13 =	simm.s32 $0xE000  }
0xd6: {  	[hbm4b:s3+s4] =	stream.indirect_vreg.scatter [tilespmem:s13], [sflag:$0x7], $0x80, v3, vm0, $0x2000b8;
	[tilespmem:$0x10300] =	vst v63  }
0xd7: {  	s13 =	simm.s32 $0xE800  }
0xd8: {  	[hbm4b:s8+s4] =	stream.indirect_vreg.scatter [tilespmem:s13], [sflag:$0x7], $0x80, v3, vm0, $0x2000b8;
	[tilespmem:$0x10300] =	vst v63  }
0xd9: {  	s14 =	simm.s32 $0xF000  }
0xda: {  	[hbm4b:s9+s4] =	stream.indirect_vreg.scatter [tilespmem:s14], [sflag:$0x7], $0x80, v3, vm0, $0x2000b8;
	[tilespmem:$0x10300] =	vst v63  }
0xdb: {  	s19 =	simm.s32 $0xF800  }
0xdc: {  	[hbm4b:s10+s4] =	stream.indirect_vreg.scatter [tilespmem:s19], [sflag:$0x7], $0x80, v3, vm0, $0x2000b8;
	[tilespmem:$0x10300] =	vst v63  }
0xdd: {  	_ =	swait.ge [sflag:s25], $0x10000  }
0xde: {  	[sflag:s25] =	ssyncset.done $0x0  }
0xdf: {  	[sflag:s25] =	ssyncadd.s32 $0xFFFF0000  }
0xe0: {  	v3 =	vld [tilespmem:$0x10200];
	_ =	sdelay $0x4  }
0xe1: {  	v48 =	vshll.u32 v3, $0x3  }
0xe2: {  	v3 =	vand.u32 $0x7, v3;
	v4 =	vand.u32 $0xFFFFFFC0, v48  }
0xe3: {  	v3 =	vor.u32 v3, v4  }
0xe4: {  	v4 =	vperm.xlane v3, v0;
	_ =	sdelay $0x1  }
0xe5: {  	v4 =	vadd.s32 v1, v4;
	_ =	sdelay $0x4  }
0xe6: {  	[hbm4b:s3+s4] =	stream.indirect_vreg.scatter [tilespmem:s4], [sflag:$0x7], $0x80, v4, vm0, $0x2000b8;
	[tilespmem:$0x10300] =	vst v63  }
0xe7: {  	s19 =	simm.s32 $0x800;
	v3 =	vperm.xlane v3, v2  }
0xe8: {  	[hbm4b:s8+s4] =	stream.indirect_vreg.scatter [tilespmem:s19], [sflag:$0x7], $0x80, v4, vm0, $0x2000b8;
	[tilespmem:$0x10300] =	vst v63  }
0xe9: {  	v3 =	vadd.s32 v1, v3;
	s19 =	simm.s32 $0x1000  }
0xea: {  	[hbm4b:s9+s4] =	stream.indirect_vreg.scatter [tilespmem:s19], [sflag:$0x7], $0x80, v4, vm0, $0x2000b8;
	[tilespmem:$0x10300] =	vst v63  }
0xeb: {  	s19 =	simm.s32 $0x1800  }
0xec: {  	[hbm4b:s10+s4] =	stream.indirect_vreg.scatter [tilespmem:s19], [sflag:$0x7], $0x80, v4, vm0, $0x2000b8;
	[tilespmem:$0x10300] =	vst v63  }
0xed: {  	s19 =	simm.s32 $0x2000  }
0xee: {  	[hbm4b:s3+s4] =	stream.indirect_vreg.scatter [tilespmem:s19], [sflag:$0x7], $0x80, v3, vm0, $0x2000b8;
	[tilespmem:$0x10300] =	vst v63  }
0xef: {  	s19 =	simm.s32 $0x2800  }
0xf0: {  	[hbm4b:s8+s4] =	stream.indirect_vreg.scatter [tilespmem:s19], [sflag:$0x7], $0x80, v3, vm0, $0x2000b8;
	[tilespmem:$0x10300] =	vst v63  }
0xf1: {  	_ = 	snop  }
0xf2: {  	[hbm4b:s9+s4] =	stream.indirect_vreg.scatter [tilespmem:s11], [sflag:$0x7], $0x80, v3, vm0, $0x2000b8;
	[tilespmem:$0x10300] =	vst v63  }
0xf3: {  	_ = 	snop  }
0xf4: {  	[hbm4b:s10+s4] =	stream.indirect_vreg.scatter [tilespmem:s18], [sflag:$0x7], $0x80, v3, vm0, $0x2000b8;
	[tilespmem:$0x10300] =	vst v63  }
0xf5: {  	v3 =	vld [tilespmem:$0x10210];
	_ =	sdelay $0x4  }
0xf6: {  	v49 =	vshll.u32 v3, $0x3  }
0xf7: {  	v3 =	vand.u32 $0x7, v3;
	v4 =	vand.u32 $0xFFFFFFC0, v49  }
0xf8: {  	v3 =	vor.u32 v3, v4  }
0xf9: {  	v4 =	vperm.xlane v3, v0;
	_ =	sdelay $0x1  }
0xfa: {  	v4 =	vadd.s32 v1, v4;
	_ =	sdelay $0x4  }
0xfb: {  	[hbm4b:s3+s4] =	stream.indirect_vreg.scatter [tilespmem:s20], [sflag:$0x7], $0x80, v4, vm0, $0x2000b8;
	[tilespmem:$0x10300] =	vst v63  }
0xfc: {  	v3 =	vperm.xlane v3, v2  }
0xfd: {  	[hbm4b:s8+s4] =	stream.indirect_vreg.scatter [tilespmem:s21], [sflag:$0x7], $0x80, v4, vm0, $0x2000b8;
	[tilespmem:$0x10300] =	vst v63  }
0xfe: {  	s26 =	simm.s32 $0x5000;
	v3 =	vadd.s32 v1, v3  }
0xff: {  	[hbm4b:s9+s4] =	stream.indirect_vreg.scatter [tilespmem:s26], [sflag:$0x7], $0x80, v4, vm0, $0x2000b8;
	[tilespmem:$0x10300] =	vst v63  }
0x100: {  	s28 =	simm.s32 $0x5800  }
0x101: {  	[hbm4b:s10+s4] =	stream.indirect_vreg.scatter [tilespmem:s28], [sflag:$0x7], $0x80, v4, vm0, $0x2000b8;
	[tilespmem:$0x10300] =	vst v63  }
0x102: {  	s29 =	simm.s32 $0x6000  }
0x103: {  	[hbm4b:s3+s4] =	stream.indirect_vreg.scatter [tilespmem:s29], [sflag:$0x7], $0x80, v3, vm0, $0x2000b8;
	[tilespmem:$0x10300] =	vst v63  }
0x104: {  	s30 =	simm.s32 $0x6800  }
0x105: {  	[hbm4b:s8+s4] =	stream.indirect_vreg.scatter [tilespmem:s30], [sflag:$0x7], $0x80, v3, vm0, $0x2000b8;
	[tilespmem:$0x10300] =	vst v63  }
0x106: {  	s26 =	simm.s32 $0x7000  }
0x107: {  	[hbm4b:s9+s4] =	stream.indirect_vreg.scatter [tilespmem:s26], [sflag:$0x7], $0x80, v3, vm0, $0x2000b8;
	[tilespmem:$0x10300] =	vst v63  }
0x108: {  	s28 =	simm.s32 $0x7800  }
0x109: {  	[hbm4b:s10+s4] =	stream.indirect_vreg.scatter [tilespmem:s28], [sflag:$0x7], $0x80, v3, vm0, $0x2000b8;
	[tilespmem:$0x10300] =	vst v63  }
0x10a: {  	v3 =	vld [tilespmem:$0x10220];
	_ =	sdelay $0x4  }
0x10b: {  	v50 =	vshll.u32 v3, $0x3  }
0x10c: {  	v3 =	vand.u32 $0x7, v3;
	v4 =	vand.u32 $0xFFFFFFC0, v50  }
0x10d: {  	v3 =	vor.u32 v3, v4  }
0x10e: {  	v4 =	vperm.xlane v3, v0;
	_ =	sdelay $0x1  }
0x10f: {  	v4 =	vadd.s32 v1, v4;
	_ =	sdelay $0x3  }
0x110: {  	s26 =	simm.s32 $0x8000  }
0x111: {  	[hbm4b:s3+s4] =	stream.indirect_vreg.scatter [tilespmem:s26], [sflag:$0x7], $0x80, v4, vm0, $0x2000b8;
	[tilespmem:$0x10300] =	vst v63  }
0x112: {  	s28 =	simm.s32 $0x8800;
	v3 =	vperm.xlane v3, v2  }
0x113: {  	[hbm4b:s8+s4] =	stream.indirect_vreg.scatter [tilespmem:s28], [sflag:$0x7], $0x80, v4, vm0, $0x2000b8;
	[tilespmem:$0x10300] =	vst v63  }
0x114: {  	v3 =	vadd.s32 v1, v3  }
0x115: {  	[hbm4b:s9+s4] =	stream.indirect_vreg.scatter [tilespmem:s22], [sflag:$0x7], $0x80, v4, vm0, $0x2000b8;
	[tilespmem:$0x10300] =	vst v63  }
0x116: {  	_ = 	snop  }
0x117: {  	[hbm4b:s10+s4] =	stream.indirect_vreg.scatter [tilespmem:s23], [sflag:$0x7], $0x80, v4, vm0, $0x2000b8;
	[tilespmem:$0x10300] =	vst v63  }
0x118: {  	_ = 	snop  }
0x119: {  	[hbm4b:s3+s4] =	stream.indirect_vreg.scatter [tilespmem:s24], [sflag:$0x7], $0x80, v3, vm0, $0x2000b8;
	[tilespmem:$0x10300] =	vst v63  }
0x11a: {  	_ = 	snop  }
0x11b: {  	[hbm4b:s8+s4] =	stream.indirect_vreg.scatter [tilespmem:s0], [sflag:$0x7], $0x80, v3, vm0, $0x2000b8;
	[tilespmem:$0x10300] =	vst v63  }
0x11c: {  	_ = 	snop  }
0x11d: {  	[hbm4b:s9+s4] =	stream.indirect_vreg.scatter [tilespmem:s2], [sflag:$0x7], $0x80, v3, vm0, $0x2000b8;
	[tilespmem:$0x10300] =	vst v63  }
0x11e: {  	_ = 	snop  }
0x11f: {  	[hbm4b:s10+s4] =	stream.indirect_vreg.scatter [tilespmem:s15], [sflag:$0x7], $0x80, v3, vm0, $0x2000b8;
	[tilespmem:$0x10300] =	vst v63  }
0x120: {  	v3 =	vld [tilespmem:$0x10230];
	_ =	sdelay $0x4  }
0x121: {  	v51 =	vshll.u32 v3, $0x3  }
0x122: {  	v3 =	vand.u32 $0x7, v3;
	v4 =	vand.u32 $0xFFFFFFC0, v51  }
0x123: {  	v3 =	vor.u32 v3, v4  }
0x124: {  	v4 =	vperm.xlane v3, v0;
	_ =	sdelay $0x1  }
0x125: {  	v4 =	vadd.s32 v1, v4;
	_ =	sdelay $0x4  }
0x126: {  	[hbm4b:s3+s4] =	stream.indirect_vreg.scatter [tilespmem:s17], [sflag:$0x7], $0x80, v4, vm0, $0x2000b8;
	[tilespmem:$0x10300] =	vst v63  }
0x127: {  	v3 =	vperm.xlane v3, v2  }
0x128: {  	[hbm4b:s8+s4] =	stream.indirect_vreg.scatter [tilespmem:s16], [sflag:$0x7], $0x80, v4, vm0, $0x2000b8;
	[tilespmem:$0x10300] =	vst v63  }
0x129: {  	v3 =	vadd.s32 v1, v3;
	s17 =	simm.s32 $0xD000  }
0x12a: {  	[hbm4b:s9+s4] =	stream.indirect_vreg.scatter [tilespmem:s17], [sflag:$0x7], $0x80, v4, vm0, $0x2000b8;
	[tilespmem:$0x10300] =	vst v63  }
0x12b: {  	_ = 	snop  }
0x12c: {  	[hbm4b:s10+s4] =	stream.indirect_vreg.scatter [tilespmem:s12], [sflag:$0x7], $0x80, v4, vm0, $0x2000b8;
	[tilespmem:$0x10300] =	vst v63  }
0x12d: {  	s28 =	simm.s32 $0xE000  }
0x12e: {  	[hbm4b:s3+s4] =	stream.indirect_vreg.scatter [tilespmem:s28], [sflag:$0x7], $0x80, v3, vm0, $0x2000b8;
	[tilespmem:$0x10300] =	vst v63  }
0x12f: {  	_ = 	snop  }
0x130: {  	[hbm4b:s8+s4] =	stream.indirect_vreg.scatter [tilespmem:s13], [sflag:$0x7], $0x80, v3, vm0, $0x2000b8;
	[tilespmem:$0x10300] =	vst v63  }
0x131: {  	_ = 	snop  }
0x132: {  	[hbm4b:s9+s4] =	stream.indirect_vreg.scatter [tilespmem:s14], [sflag:$0x7], $0x80, v3, vm0, $0x2000b8;
	[tilespmem:$0x10300] =	vst v63  }
0x133: {  	s0 =	simm.s32 $0xF800  }
0x134: {  	[hbm4b:s10+s4] =	stream.indirect_vreg.scatter [tilespmem:s0], [sflag:$0x7], $0x80, v3, vm0, $0x2000b8;
	[tilespmem:$0x10300] =	vst v63  }
0x135: {  	_ =	swait.ge [sflag:s25], $0x10000  }
0x136: {  	[sflag:s25] =	ssyncset.done $0x0  }
0x137: {  	[sflag:s25] =	ssyncadd.s32 $0xFFFF0000  }
0x138: {  	v3 =	vld [tilespmem:$0x10040];
	_ =	sdelay $0x4  }
0x139: {  	v52 =	vshll.u32 v3, $0x3  }
0x13a: {  	v3 =	vand.u32 $0x7, v3;
	v4 =	vand.u32 $0xFFFFFFC0, v52  }
0x13b: {  	v3 =	vor.u32 v3, v4  }
0x13c: {  	v4 =	vperm.xlane v3, v0;
	_ =	sdelay $0x1  }
0x13d: {  	v4 =	vadd.s32 v1, v4;
	_ =	sdelay $0x4  }
0x13e: {  	[tilespmem:s4], [sflag:$0x7] =	stream.indirect_vreg.gather [hbm4b:s1+s4], $0x80, v4, vm0, $0x2000b8;
	[tilespmem:$0x10300] =	vst v63  }
0x13f: {  	s0 =	simm.s32 $0x800;
	v3 =	vperm.xlane v3, v2  }
0x140: {  	[tilespmem:s0], [sflag:$0x7] =	stream.indirect_vreg.gather [hbm4b:s5+s4], $0x80, v4, vm0, $0x2000b8;
	[tilespmem:$0x10300] =	vst v63  }
0x141: {  	v3 =	vadd.s32 v1, v3;
	s0 =	simm.s32 $0x1000  }
0x142: {  	[tilespmem:s0], [sflag:$0x7] =	stream.indirect_vreg.gather [hbm4b:s6+s4], $0x80, v4, vm0, $0x2000b8;
	[tilespmem:$0x10300] =	vst v63  }
0x143: {  	s0 =	simm.s32 $0x1800  }
0x144: {  	[tilespmem:s0], [sflag:$0x7] =	stream.indirect_vreg.gather [hbm4b:s7+s4], $0x80, v4, vm0, $0x2000b8;
	[tilespmem:$0x10300] =	vst v63  }
0x145: {  	s0 =	simm.s32 $0x2000  }
0x146: {  	[tilespmem:s0], [sflag:$0x7] =	stream.indirect_vreg.gather [hbm4b:s1+s4], $0x80, v3, vm0, $0x2000b8;
	[tilespmem:$0x10300] =	vst v63  }
0x147: {  	s0 =	simm.s32 $0x2800  }
0x148: {  	[tilespmem:s0], [sflag:$0x7] =	stream.indirect_vreg.gather [hbm4b:s5+s4], $0x80, v3, vm0, $0x2000b8;
	[tilespmem:$0x10300] =	vst v63  }
0x149: {  	s11 =	simm.s32 $0x3000  }
0x14a: {  	[tilespmem:s11], [sflag:$0x7] =	stream.indirect_vreg.gather [hbm4b:s6+s4], $0x80, v3, vm0, $0x2000b8;
	[tilespmem:$0x10300] =	vst v63  }
0x14b: {  	s19 =	simm.s32 $0x3800  }
0x14c: {  	[tilespmem:s19], [sflag:$0x7] =	stream.indirect_vreg.gather [hbm4b:s7+s4], $0x80, v3, vm0, $0x2000b8;
	[tilespmem:$0x10300] =	vst v63  }
0x14d: {  	v3 =	vld [tilespmem:$0x10050];
	_ =	sdelay $0x4  }
0x14e: {  	v53 =	vshll.u32 v3, $0x3  }
0x14f: {  	v3 =	vand.u32 $0x7, v3;
	v4 =	vand.u32 $0xFFFFFFC0, v53  }
0x150: {  	v3 =	vor.u32 v3, v4  }
0x151: {  	v4 =	vperm.xlane v3, v0;
	_ =	sdelay $0x1  }
0x152: {  	v4 =	vadd.s32 v1, v4;
	_ =	sdelay $0x3  }
0x153: {  	s20 =	simm.s32 $0x4000  }
0x154: {  	[tilespmem:s20], [sflag:$0x7] =	stream.indirect_vreg.gather [hbm4b:s1+s4], $0x80, v4, vm0, $0x2000b8;
	[tilespmem:$0x10300] =	vst v63  }
0x155: {  	s21 =	simm.s32 $0x4800;
	v3 =	vperm.xlane v3, v2  }
0x156: {  	[tilespmem:s21], [sflag:$0x7] =	stream.indirect_vreg.gather [hbm4b:s5+s4], $0x80, v4, vm0, $0x2000b8;
	[tilespmem:$0x10300] =	vst v63  }
0x157: {  	v3 =	vadd.s32 v1, v3;
	s20 =	simm.s32 $0x5000  }
0x158: {  	[tilespmem:s20], [sflag:$0x7] =	stream.indirect_vreg.gather [hbm4b:s6+s4], $0x80, v4, vm0, $0x2000b8;
	[tilespmem:$0x10300] =	vst v63  }
0x159: {  	s21 =	simm.s32 $0x5800  }
0x15a: {  	[tilespmem:s21], [sflag:$0x7] =	stream.indirect_vreg.gather [hbm4b:s7+s4], $0x80, v4, vm0, $0x2000b8;
	[tilespmem:$0x10300] =	vst v63  }
0x15b: {  	s29 =	simm.s32 $0x6000  }
0x15c: {  	[tilespmem:s29], [sflag:$0x7] =	stream.indirect_vreg.gather [hbm4b:s1+s4], $0x80, v3, vm0, $0x2000b8;
	[tilespmem:$0x10300] =	vst v63  }
0x15d: {  	s30 =	simm.s32 $0x6800  }
0x15e: {  	[tilespmem:s30], [sflag:$0x7] =	stream.indirect_vreg.gather [hbm4b:s5+s4], $0x80, v3, vm0, $0x2000b8;
	[tilespmem:$0x10300] =	vst v63  }
0x15f: {  	s30 =	simm.s32 $0x7000  }
0x160: {  	[tilespmem:s30], [sflag:$0x7] =	stream.indirect_vreg.gather [hbm4b:s6+s4], $0x80, v3, vm0, $0x2000b8;
	[tilespmem:$0x10300] =	vst v63  }
0x161: {  	s20 =	simm.s32 $0x7800  }
0x162: {  	[tilespmem:s20], [sflag:$0x7] =	stream.indirect_vreg.gather [hbm4b:s7+s4], $0x80, v3, vm0, $0x2000b8;
	[tilespmem:$0x10300] =	vst v63  }
0x163: {  	v3 =	vld [tilespmem:$0x10060];
	_ =	sdelay $0x4  }
0x164: {  	v54 =	vshll.u32 v3, $0x3  }
0x165: {  	v3 =	vand.u32 $0x7, v3;
	v4 =	vand.u32 $0xFFFFFFC0, v54  }
0x166: {  	v3 =	vor.u32 v3, v4  }
0x167: {  	v4 =	vperm.xlane v3, v0;
	_ =	sdelay $0x1  }
0x168: {  	v4 =	vadd.s32 v1, v4;
	_ =	sdelay $0x3  }
0x169: {  	s21 =	simm.s32 $0x8000  }
0x16a: {  	[tilespmem:s21], [sflag:$0x7] =	stream.indirect_vreg.gather [hbm4b:s1+s4], $0x80, v4, vm0, $0x2000b8;
	[tilespmem:$0x10300] =	vst v63  }
0x16b: {  	s29 =	simm.s32 $0x8800;
	v3 =	vperm.xlane v3, v2  }
0x16c: {  	[tilespmem:s29], [sflag:$0x7] =	stream.indirect_vreg.gather [hbm4b:s5+s4], $0x80, v4, vm0, $0x2000b8;
	[tilespmem:$0x10300] =	vst v63  }
0x16d: {  	s22 =	simm.s32 $0x9000;
	v3 =	vadd.s32 v1, v3  }
0x16e: {  	[tilespmem:s22], [sflag:$0x7] =	stream.indirect_vreg.gather [hbm4b:s6+s4], $0x80, v4, vm0, $0x2000b8;
	[tilespmem:$0x10300] =	vst v63  }
0x16f: {  	s23 =	simm.s32 $0x9800  }
0x170: {  	[tilespmem:s23], [sflag:$0x7] =	stream.indirect_vreg.gather [hbm4b:s7+s4], $0x80, v4, vm0, $0x2000b8;
	[tilespmem:$0x10300] =	vst v63  }
0x171: {  	s24 =	simm.s32 $0xA000  }
0x172: {  	[tilespmem:s24], [sflag:$0x7] =	stream.indirect_vreg.gather [hbm4b:s1+s4], $0x80, v3, vm0, $0x2000b8;
	[tilespmem:$0x10300] =	vst v63  }
0x173: {  	s18 =	simm.s32 $0xA800  }
0x174: {  	[tilespmem:s18], [sflag:$0x7] =	stream.indirect_vreg.gather [hbm4b:s5+s4], $0x80, v3, vm0, $0x2000b8;
	[tilespmem:$0x10300] =	vst v63  }
0x175: {  	s26 =	simm.s32 $0xB000  }
0x176: {  	[tilespmem:s26], [sflag:$0x7] =	stream.indirect_vreg.gather [hbm4b:s6+s4], $0x80, v3, vm0, $0x2000b8;
	[tilespmem:$0x10300] =	vst v63  }
0x177: {  	s30 =	simm.s32 $0xB800  }
0x178: {  	[tilespmem:s30], [sflag:$0x7] =	stream.indirect_vreg.gather [hbm4b:s7+s4], $0x80, v3, vm0, $0x2000b8;
	[tilespmem:$0x10300] =	vst v63  }
0x179: {  	v3 =	vld [tilespmem:$0x10070];
	_ =	sdelay $0x4  }
0x17a: {  	v55 =	vshll.u32 v3, $0x3  }
0x17b: {  	v3 =	vand.u32 $0x7, v3;
	v4 =	vand.u32 $0xFFFFFFC0, v55  }
0x17c: {  	v3 =	vor.u32 v3, v4  }
0x17d: {  	v4 =	vperm.xlane v3, v0;
	_ =	sdelay $0x1  }
0x17e: {  	v4 =	vadd.s32 v1, v4;
	_ =	sdelay $0x3  }
0x17f: {  	s15 =	simm.s32 $0xC000  }
0x180: {  	[tilespmem:s15], [sflag:$0x7] =	stream.indirect_vreg.gather [hbm4b:s1+s4], $0x80, v4, vm0, $0x2000b8;
	[tilespmem:$0x10300] =	vst v63  }
0x181: {  	s16 =	simm.s32 $0xC800;
	v3 =	vperm.xlane v3, v2  }
0x182: {  	[tilespmem:s16], [sflag:$0x7] =	stream.indirect_vreg.gather [hbm4b:s5+s4], $0x80, v4, vm0, $0x2000b8;
	[tilespmem:$0x10300] =	vst v63  }
0x183: {  	s17 =	simm.s32 $0xD000;
	v3 =	vadd.s32 v1, v3  }
0x184: {  	[tilespmem:s17], [sflag:$0x7] =	stream.indirect_vreg.gather [hbm4b:s6+s4], $0x80, v4, vm0, $0x2000b8;
	[tilespmem:$0x10300] =	vst v63  }
0x185: {  	s2 =	simm.s32 $0xD800  }
0x186: {  	[tilespmem:s2], [sflag:$0x7] =	stream.indirect_vreg.gather [hbm4b:s7+s4], $0x80, v4, vm0, $0x2000b8;
	[tilespmem:$0x10300] =	vst v63  }
0x187: {  	s28 =	simm.s32 $0xE000  }
0x188: {  	[tilespmem:s28], [sflag:$0x7] =	stream.indirect_vreg.gather [hbm4b:s1+s4], $0x80, v3, vm0, $0x2000b8;
	[tilespmem:$0x10300] =	vst v63  }
0x189: {  	s12 =	simm.s32 $0xE800  }
0x18a: {  	[tilespmem:s12], [sflag:$0x7] =	stream.indirect_vreg.gather [hbm4b:s5+s4], $0x80, v3, vm0, $0x2000b8;
	[tilespmem:$0x10300] =	vst v63  }
0x18b: {  	s13 =	simm.s32 $0xF000  }
0x18c: {  	[tilespmem:s13], [sflag:$0x7] =	stream.indirect_vreg.gather [hbm4b:s6+s4], $0x80, v3, vm0, $0x2000b8;
	[tilespmem:$0x10300] =	vst v63  }
0x18d: {  	s14 =	simm.s32 $0xF800  }
0x18e: {  	[tilespmem:s14], [sflag:$0x7] =	stream.indirect_vreg.gather [hbm4b:s7+s4], $0x80, v3, vm0, $0x2000b8;
	[tilespmem:$0x10300] =	vst v63  }
0x18f: {  	_ =	swait.ge [sflag:s25], $0x10000  }
0x190: {  	[sflag:s25] =	ssyncset.done $0x0  }
0x191: {  	[sflag:s25] =	ssyncadd.s32 $0xFFFF0000  }
0x192: {  	v3 =	vld [tilespmem:$0x10140];
	_ =	sdelay $0x4  }
0x193: {  	v56 =	vshll.u32 v3, $0x3  }
0x194: {  	v3 =	vand.u32 $0x7, v3;
	v4 =	vand.u32 $0xFFFFFFC0, v56  }
0x195: {  	v3 =	vor.u32 v3, v4  }
0x196: {  	v4 =	vperm.xlane v3, v0;
	_ =	sdelay $0x1  }
0x197: {  	v4 =	vadd.s32 v1, v4;
	_ =	sdelay $0x4  }
0x198: {  	[hbm4b:s3+s4] =	stream.indirect_vreg.scatter [tilespmem:s4], [sflag:$0x7], $0x80, v4, vm0, $0x2000b8;
	[tilespmem:$0x10300] =	vst v63  }
0x199: {  	s16 =	simm.s32 $0x800;
	v3 =	vperm.xlane v3, v2  }
0x19a: {  	[hbm4b:s8+s4] =	stream.indirect_vreg.scatter [tilespmem:s16], [sflag:$0x7], $0x80, v4, vm0, $0x2000b8;
	[tilespmem:$0x10300] =	vst v63  }
0x19b: {  	s17 =	simm.s32 $0x1000;
	v3 =	vadd.s32 v1, v3  }
0x19c: {  	[hbm4b:s9+s4] =	stream.indirect_vreg.scatter [tilespmem:s17], [sflag:$0x7], $0x80, v4, vm0, $0x2000b8;
	[tilespmem:$0x10300] =	vst v63  }
0x19d: {  	s13 =	simm.s32 $0x1800  }
0x19e: {  	[hbm4b:s10+s4] =	stream.indirect_vreg.scatter [tilespmem:s13], [sflag:$0x7], $0x80, v4, vm0, $0x2000b8;
	[tilespmem:$0x10300] =	vst v63  }
0x19f: {  	s14 =	simm.s32 $0x2000  }
0x1a0: {  	[hbm4b:s3+s4] =	stream.indirect_vreg.scatter [tilespmem:s14], [sflag:$0x7], $0x80, v3, vm0, $0x2000b8;
	[tilespmem:$0x10300] =	vst v63  }
0x1a1: {  	s16 =	simm.s32 $0x2800  }
0x1a2: {  	[hbm4b:s8+s4] =	stream.indirect_vreg.scatter [tilespmem:s16], [sflag:$0x7], $0x80, v3, vm0, $0x2000b8;
	[tilespmem:$0x10300] =	vst v63  }
0x1a3: {  	s17 =	simm.s32 $0x3000  }
0x1a4: {  	[hbm4b:s9+s4] =	stream.indirect_vreg.scatter [tilespmem:s17], [sflag:$0x7], $0x80, v3, vm0, $0x2000b8;
	[tilespmem:$0x10300] =	vst v63  }
0x1a5: {  	s11 =	simm.s32 $0x3800  }
0x1a6: {  	[hbm4b:s10+s4] =	stream.indirect_vreg.scatter [tilespmem:s11], [sflag:$0x7], $0x80, v3, vm0, $0x2000b8;
	[tilespmem:$0x10300] =	vst v63  }
0x1a7: {  	v3 =	vld [tilespmem:$0x10150];
	_ =	sdelay $0x4  }
0x1a8: {  	v57 =	vshll.u32 v3, $0x3  }
0x1a9: {  	v3 =	vand.u32 $0x7, v3;
	v4 =	vand.u32 $0xFFFFFFC0, v57  }
0x1aa: {  	v3 =	vor.u32 v3, v4  }
0x1ab: {  	v4 =	vperm.xlane v3, v0;
	_ =	sdelay $0x1  }
0x1ac: {  	v4 =	vadd.s32 v1, v4;
	_ =	sdelay $0x3  }
0x1ad: {  	s19 =	simm.s32 $0x4000  }
0x1ae: {  	[hbm4b:s3+s4] =	stream.indirect_vreg.scatter [tilespmem:s19], [sflag:$0x7], $0x80, v4, vm0, $0x2000b8;
	[tilespmem:$0x10300] =	vst v63  }
0x1af: {  	v3 =	vperm.xlane v3, v2;
	s19 =	simm.s32 $0x4800  }
0x1b0: {  	[hbm4b:s8+s4] =	stream.indirect_vreg.scatter [tilespmem:s19], [sflag:$0x7], $0x80, v4, vm0, $0x2000b8;
	[tilespmem:$0x10300] =	vst v63  }
0x1b1: {  	s16 =	simm.s32 $0x5000;
	v3 =	vadd.s32 v1, v3  }
0x1b2: {  	[hbm4b:s9+s4] =	stream.indirect_vreg.scatter [tilespmem:s16], [sflag:$0x7], $0x80, v4, vm0, $0x2000b8;
	[tilespmem:$0x10300] =	vst v63  }
0x1b3: {  	s19 =	simm.s32 $0x5800  }
0x1b4: {  	[hbm4b:s10+s4] =	stream.indirect_vreg.scatter [tilespmem:s19], [sflag:$0x7], $0x80, v4, vm0, $0x2000b8;
	[tilespmem:$0x10300] =	vst v63  }
0x1b5: {  	s16 =	simm.s32 $0x6000  }
0x1b6: {  	[hbm4b:s3+s4] =	stream.indirect_vreg.scatter [tilespmem:s16], [sflag:$0x7], $0x80, v3, vm0, $0x2000b8;
	[tilespmem:$0x10300] =	vst v63  }
0x1b7: {  	s19 =	simm.s32 $0x6800  }
0x1b8: {  	[hbm4b:s8+s4] =	stream.indirect_vreg.scatter [tilespmem:s19], [sflag:$0x7], $0x80, v3, vm0, $0x2000b8;
	[tilespmem:$0x10300] =	vst v63  }
0x1b9: {  	s16 =	simm.s32 $0x7000  }
0x1ba: {  	[hbm4b:s9+s4] =	stream.indirect_vreg.scatter [tilespmem:s16], [sflag:$0x7], $0x80, v3, vm0, $0x2000b8;
	[tilespmem:$0x10300] =	vst v63  }
0x1bb: {  	s19 =	simm.s32 $0x7800  }
0x1bc: {  	[hbm4b:s10+s4] =	stream.indirect_vreg.scatter [tilespmem:s19], [sflag:$0x7], $0x80, v3, vm0, $0x2000b8;
	[tilespmem:$0x10300] =	vst v63  }
0x1bd: {  	v3 =	vld [tilespmem:$0x10160];
	_ =	sdelay $0x4  }
0x1be: {  	v58 =	vshll.u32 v3, $0x3  }
0x1bf: {  	v3 =	vand.u32 $0x7, v3;
	v4 =	vand.u32 $0xFFFFFFC0, v58  }
0x1c0: {  	v3 =	vor.u32 v3, v4  }
0x1c1: {  	v4 =	vperm.xlane v3, v0;
	_ =	sdelay $0x1  }
0x1c2: {  	v4 =	vadd.s32 v1, v4;
	_ =	sdelay $0x3  }
0x1c3: {  	s16 =	simm.s32 $0x8000  }
0x1c4: {  	[hbm4b:s3+s4] =	stream.indirect_vreg.scatter [tilespmem:s16], [sflag:$0x7], $0x80, v4, vm0, $0x2000b8;
	[tilespmem:$0x10300] =	vst v63  }
0x1c5: {  	s19 =	simm.s32 $0x8800;
	v3 =	vperm.xlane v3, v2  }
0x1c6: {  	[hbm4b:s8+s4] =	stream.indirect_vreg.scatter [tilespmem:s19], [sflag:$0x7], $0x80, v4, vm0, $0x2000b8;
	[tilespmem:$0x10300] =	vst v63  }
0x1c7: {  	s22 =	simm.s32 $0x9000;
	v3 =	vadd.s32 v1, v3  }
0x1c8: {  	[hbm4b:s9+s4] =	stream.indirect_vreg.scatter [tilespmem:s22], [sflag:$0x7], $0x80, v4, vm0, $0x2000b8;
	[tilespmem:$0x10300] =	vst v63  }
0x1c9: {  	s23 =	simm.s32 $0x9800  }
0x1ca: {  	[hbm4b:s10+s4] =	stream.indirect_vreg.scatter [tilespmem:s23], [sflag:$0x7], $0x80, v4, vm0, $0x2000b8;
	[tilespmem:$0x10300] =	vst v63  }
0x1cb: {  	s24 =	simm.s32 $0xA000  }
0x1cc: {  	[hbm4b:s3+s4] =	stream.indirect_vreg.scatter [tilespmem:s24], [sflag:$0x7], $0x80, v3, vm0, $0x2000b8;
	[tilespmem:$0x10300] =	vst v63  }
0x1cd: {  	s20 =	simm.s32 $0xA800  }
0x1ce: {  	[hbm4b:s8+s4] =	stream.indirect_vreg.scatter [tilespmem:s20], [sflag:$0x7], $0x80, v3, vm0, $0x2000b8;
	[tilespmem:$0x10300] =	vst v63  }
0x1cf: {  	s26 =	simm.s32 $0xB000  }
0x1d0: {  	[hbm4b:s9+s4] =	stream.indirect_vreg.scatter [tilespmem:s26], [sflag:$0x7], $0x80, v3, vm0, $0x2000b8;
	[tilespmem:$0x10300] =	vst v63  }
0x1d1: {  	s0 =	simm.s32 $0xB800  }
0x1d2: {  	[hbm4b:s10+s4] =	stream.indirect_vreg.scatter [tilespmem:s0], [sflag:$0x7], $0x80, v3, vm0, $0x2000b8;
	[tilespmem:$0x10300] =	vst v63  }
0x1d3: {  	v3 =	vld [tilespmem:$0x10170];
	_ =	sdelay $0x4  }
0x1d4: {  	v59 =	vshll.u32 v3, $0x3  }
0x1d5: {  	v3 =	vand.u32 $0x7, v3;
	v4 =	vand.u32 $0xFFFFFFC0, v59  }
0x1d6: {  	v3 =	vor.u32 v3, v4  }
0x1d7: {  	v4 =	vperm.xlane v3, v0;
	_ =	sdelay $0x1  }
0x1d8: {  	v4 =	vadd.s32 v1, v4;
	_ =	sdelay $0x3  }
0x1d9: {  	s18 =	simm.s32 $0xC000  }
0x1da: {  	[hbm4b:s3+s4] =	stream.indirect_vreg.scatter [tilespmem:s18], [sflag:$0x7], $0x80, v4, vm0, $0x2000b8;
	[tilespmem:$0x10300] =	vst v63  }
0x1db: {  	s21 =	simm.s32 $0xC800;
	v3 =	vperm.xlane v3, v2  }
0x1dc: {  	[hbm4b:s8+s4] =	stream.indirect_vreg.scatter [tilespmem:s21], [sflag:$0x7], $0x80, v4, vm0, $0x2000b8;
	[tilespmem:$0x10300] =	vst v63  }
0x1dd: {  	s29 =	simm.s32 $0xD000;
	v3 =	vadd.s32 v1, v3  }
0x1de: {  	[hbm4b:s9+s4] =	stream.indirect_vreg.scatter [tilespmem:s29], [sflag:$0x7], $0x80, v4, vm0, $0x2000b8;
	[tilespmem:$0x10300] =	vst v63  }
0x1df: {  	s2 =	simm.s32 $0xD800  }
0x1e0: {  	[hbm4b:s10+s4] =	stream.indirect_vreg.scatter [tilespmem:s2], [sflag:$0x7], $0x80, v4, vm0, $0x2000b8;
	[tilespmem:$0x10300] =	vst v63  }
0x1e1: {  	s28 =	simm.s32 $0xE000  }
0x1e2: {  	[hbm4b:s3+s4] =	stream.indirect_vreg.scatter [tilespmem:s28], [sflag:$0x7], $0x80, v3, vm0, $0x2000b8;
	[tilespmem:$0x10300] =	vst v63  }
0x1e3: {  	s30 =	simm.s32 $0xE800  }
0x1e4: {  	[hbm4b:s8+s4] =	stream.indirect_vreg.scatter [tilespmem:s30], [sflag:$0x7], $0x80, v3, vm0, $0x2000b8;
	[tilespmem:$0x10300] =	vst v63  }
0x1e5: {  	s15 =	simm.s32 $0xF000  }
0x1e6: {  	[hbm4b:s9+s4] =	stream.indirect_vreg.scatter [tilespmem:s15], [sflag:$0x7], $0x80, v3, vm0, $0x2000b8;
	[tilespmem:$0x10300] =	vst v63  }
0x1e7: {  	s29 =	simm.s32 $0xF800  }
0x1e8: {  	[hbm4b:s10+s4] =	stream.indirect_vreg.scatter [tilespmem:s29], [sflag:$0x7], $0x80, v3, vm0, $0x2000b8;
	[tilespmem:$0x10300] =	vst v63  }
0x1e9: {  	_ =	swait.ge [sflag:s25], $0x10000  }
0x1ea: {  	[sflag:s25] =	ssyncset.done $0x0  }
0x1eb: {  	[sflag:s25] =	ssyncadd.s32 $0xFFFF0000  }
0x1ec: {  	v3 =	vld [tilespmem:$0x10240];
	_ =	sdelay $0x4  }
0x1ed: {  	v60 =	vshll.u32 v3, $0x3  }
0x1ee: {  	v3 =	vand.u32 $0x7, v3;
	v4 =	vand.u32 $0xFFFFFFC0, v60  }
0x1ef: {  	v3 =	vor.u32 v3, v4  }
0x1f0: {  	v4 =	vperm.xlane v3, v0;
	_ =	sdelay $0x1  }
0x1f1: {  	v4 =	vadd.s32 v1, v4;
	_ =	sdelay $0x4  }
0x1f2: {  	[hbm4b:s3+s4] =	stream.indirect_vreg.scatter [tilespmem:s4], [sflag:$0x7], $0x80, v4, vm0, $0x2000b8;
	[tilespmem:$0x10300] =	vst v63  }
0x1f3: {  	s30 =	simm.s32 $0x800;
	v3 =	vperm.xlane v3, v2  }
0x1f4: {  	[hbm4b:s8+s4] =	stream.indirect_vreg.scatter [tilespmem:s30], [sflag:$0x7], $0x80, v4, vm0, $0x2000b8;
	[tilespmem:$0x10300] =	vst v63  }
0x1f5: {  	v3 =	vadd.s32 v1, v3;
	s30 =	simm.s32 $0x1000  }
0x1f6: {  	[hbm4b:s9+s4] =	stream.indirect_vreg.scatter [tilespmem:s30], [sflag:$0x7], $0x80, v4, vm0, $0x2000b8;
	[tilespmem:$0x10300] =	vst v63  }
0x1f7: {  	s30 =	simm.s32 $0x1800  }
0x1f8: {  	[hbm4b:s10+s4] =	stream.indirect_vreg.scatter [tilespmem:s30], [sflag:$0x7], $0x80, v4, vm0, $0x2000b8;
	[tilespmem:$0x10300] =	vst v63  }
0x1f9: {  	s30 =	simm.s32 $0x2000  }
0x1fa: {  	[hbm4b:s3+s4] =	stream.indirect_vreg.scatter [tilespmem:s30], [sflag:$0x7], $0x80, v3, vm0, $0x2000b8;
	[tilespmem:$0x10300] =	vst v63  }
0x1fb: {  	s30 =	simm.s32 $0x2800  }
0x1fc: {  	[hbm4b:s8+s4] =	stream.indirect_vreg.scatter [tilespmem:s30], [sflag:$0x7], $0x80, v3, vm0, $0x2000b8;
	[tilespmem:$0x10300] =	vst v63  }
0x1fd: {  	s13 =	simm.s32 $0x3000  }
0x1fe: {  	[hbm4b:s9+s4] =	stream.indirect_vreg.scatter [tilespmem:s13], [sflag:$0x7], $0x80, v3, vm0, $0x2000b8;
	[tilespmem:$0x10300] =	vst v63  }
0x1ff: {  	s14 =	simm.s32 $0x3800  }
0x200: {  	[hbm4b:s10+s4] =	stream.indirect_vreg.scatter [tilespmem:s14], [sflag:$0x7], $0x80, v3, vm0, $0x2000b8;
	[tilespmem:$0x10300] =	vst v63  }
0x201: {  	v3 =	vld [tilespmem:$0x10250];
	_ =	sdelay $0x4  }
0x202: {  	v61 =	vshll.u32 v3, $0x3  }
0x203: {  	v3 =	vand.u32 $0x7, v3;
	v4 =	vand.u32 $0xFFFFFFC0, v61  }
0x204: {  	v3 =	vor.u32 v3, v4  }
0x205: {  	v4 =	vperm.xlane v3, v0;
	_ =	sdelay $0x1  }
0x206: {  	v4 =	vadd.s32 v1, v4;
	_ =	sdelay $0x3  }
0x207: {  	s12 =	simm.s32 $0x4000  }
0x208: {  	[hbm4b:s3+s4] =	stream.indirect_vreg.scatter [tilespmem:s12], [sflag:$0x7], $0x80, v4, vm0, $0x2000b8;
	[tilespmem:$0x10300] =	vst v63  }
0x209: {  	s17 =	simm.s32 $0x4800;
	v3 =	vperm.xlane v3, v2  }
0x20a: {  	[hbm4b:s8+s4] =	stream.indirect_vreg.scatter [tilespmem:s17], [sflag:$0x7], $0x80, v4, vm0, $0x2000b8;
	[tilespmem:$0x10300] =	vst v63  }
0x20b: {  	v3 =	vadd.s32 v1, v3;
	s17 =	simm.s32 $0x5000  }
0x20c: {  	[hbm4b:s9+s4] =	stream.indirect_vreg.scatter [tilespmem:s17], [sflag:$0x7], $0x80, v4, vm0, $0x2000b8;
	[tilespmem:$0x10300] =	vst v63  }
0x20d: {  	s29 =	simm.s32 $0x5800  }
0x20e: {  	[hbm4b:s10+s4] =	stream.indirect_vreg.scatter [tilespmem:s29], [sflag:$0x7], $0x80, v4, vm0, $0x2000b8;
	[tilespmem:$0x10300] =	vst v63  }
0x20f: {  	s30 =	simm.s32 $0x6000  }
0x210: {  	[hbm4b:s3+s4] =	stream.indirect_vreg.scatter [tilespmem:s30], [sflag:$0x7], $0x80, v3, vm0, $0x2000b8;
	[tilespmem:$0x10300] =	vst v63  }
0x211: {  	s13 =	simm.s32 $0x6800  }
0x212: {  	[hbm4b:s8+s4] =	stream.indirect_vreg.scatter [tilespmem:s13], [sflag:$0x7], $0x80, v3, vm0, $0x2000b8;
	[tilespmem:$0x10300] =	vst v63  }
0x213: {  	s14 =	simm.s32 $0x7000  }
0x214: {  	[hbm4b:s9+s4] =	stream.indirect_vreg.scatter [tilespmem:s14], [sflag:$0x7], $0x80, v3, vm0, $0x2000b8;
	[tilespmem:$0x10300] =	vst v63  }
0x215: {  	s17 =	simm.s32 $0x7800  }
0x216: {  	[hbm4b:s10+s4] =	stream.indirect_vreg.scatter [tilespmem:s17], [sflag:$0x7], $0x80, v3, vm0, $0x2000b8;
	[tilespmem:$0x10300] =	vst v63  }
0x217: {  	v3 =	vld [tilespmem:$0x10260];
	_ =	sdelay $0x4  }
0x218: {  	v62 =	vshll.u32 v3, $0x3  }
0x219: {  	v3 =	vand.u32 $0x7, v3;
	v4 =	vand.u32 $0xFFFFFFC0, v62  }
0x21a: {  	v3 =	vor.u32 v3, v4  }
0x21b: {  	v4 =	vperm.xlane v3, v0;
	_ =	sdelay $0x1  }
0x21c: {  	v4 =	vadd.s32 v1, v4;
	_ =	sdelay $0x3  }
0x21d: {  	s29 =	simm.s32 $0x8000  }
0x21e: {  	[hbm4b:s3+s4] =	stream.indirect_vreg.scatter [tilespmem:s29], [sflag:$0x7], $0x80, v4, vm0, $0x2000b8;
	[tilespmem:$0x10300] =	vst v63  }
0x21f: {  	s30 =	simm.s32 $0x8800;
	v3 =	vperm.xlane v3, v2  }
0x220: {  	[hbm4b:s8+s4] =	stream.indirect_vreg.scatter [tilespmem:s30], [sflag:$0x7], $0x80, v4, vm0, $0x2000b8;
	[tilespmem:$0x10300] =	vst v63  }
0x221: {  	s22 =	simm.s32 $0x9000;
	v3 =	vadd.s32 v1, v3  }
0x222: {  	[hbm4b:s9+s4] =	stream.indirect_vreg.scatter [tilespmem:s22], [sflag:$0x7], $0x80, v4, vm0, $0x2000b8;
	[tilespmem:$0x10300] =	vst v63  }
0x223: {  	s23 =	simm.s32 $0x9800  }
0x224: {  	[hbm4b:s10+s4] =	stream.indirect_vreg.scatter [tilespmem:s23], [sflag:$0x7], $0x80, v4, vm0, $0x2000b8;
	[tilespmem:$0x10300] =	vst v63  }
0x225: {  	s24 =	simm.s32 $0xA000  }
0x226: {  	[hbm4b:s3+s4] =	stream.indirect_vreg.scatter [tilespmem:s24], [sflag:$0x7], $0x80, v3, vm0, $0x2000b8;
	[tilespmem:$0x10300] =	vst v63  }
0x227: {  	s16 =	simm.s32 $0xA800  }
0x228: {  	[hbm4b:s8+s4] =	stream.indirect_vreg.scatter [tilespmem:s16], [sflag:$0x7], $0x80, v3, vm0, $0x2000b8;
	[tilespmem:$0x10300] =	vst v63  }
0x229: {  	s20 =	simm.s32 $0xB000  }
0x22a: {  	[hbm4b:s9+s4] =	stream.indirect_vreg.scatter [tilespmem:s20], [sflag:$0x7], $0x80, v3, vm0, $0x2000b8;
	[tilespmem:$0x10300] =	vst v63  }
0x22b: {  	s11 =	simm.s32 $0xB800  }
0x22c: {  	[hbm4b:s10+s4] =	stream.indirect_vreg.scatter [tilespmem:s11], [sflag:$0x7], $0x80, v3, vm0, $0x2000b8;
	[tilespmem:$0x10300] =	vst v63  }
0x22d: {  	v3 =	vld [tilespmem:$0x10270];
	_ =	sdelay $0x4  }
0x22e: {  	v63 =	vshll.u32 v3, $0x3  }
0x22f: {  	v3 =	vand.u32 $0x7, v3;
	v4 =	vand.u32 $0xFFFFFFC0, v63  }
0x230: {  	v3 =	vor.u32 v3, v4  }
0x231: {  	v4 =	vperm.xlane v3, v0;
	_ =	sdelay $0x1  }
0x232: {  	v4 =	vadd.s32 v1, v4;
	_ =	sdelay $0x3  }
0x233: {  	s19 =	simm.s32 $0xC000  }
0x234: {  	[hbm4b:s3+s4] =	stream.indirect_vreg.scatter [tilespmem:s19], [sflag:$0x7], $0x80, v4, vm0, $0x2000b8;
	[tilespmem:$0x10300] =	vst v63  }
0x235: {  	s18 =	simm.s32 $0xC800;
	v3 =	vperm.xlane v3, v2  }
0x236: {  	[hbm4b:s8+s4] =	stream.indirect_vreg.scatter [tilespmem:s18], [sflag:$0x7], $0x80, v4, vm0, $0x2000b8;
	[tilespmem:$0x10300] =	vst v63  }
0x237: {  	s21 =	simm.s32 $0xD000;
	v3 =	vadd.s32 v1, v3  }
0x238: {  	[hbm4b:s9+s4] =	stream.indirect_vreg.scatter [tilespmem:s21], [sflag:$0x7], $0x80, v4, vm0, $0x2000b8;
	[tilespmem:$0x10300] =	vst v63  }
0x239: {  	s0 =	simm.s32 $0xD800  }
0x23a: {  	[hbm4b:s10+s4] =	stream.indirect_vreg.scatter [tilespmem:s0], [sflag:$0x7], $0x80, v4, vm0, $0x2000b8;
	[tilespmem:$0x10300] =	vst v63  }
0x23b: {  	s26 =	simm.s32 $0xE000  }
0x23c: {  	[hbm4b:s3+s4] =	stream.indirect_vreg.scatter [tilespmem:s26], [sflag:$0x7], $0x80, v3, vm0, $0x2000b8;
	[tilespmem:$0x10300] =	vst v63  }
0x23d: {  	s28 =	simm.s32 $0xE800  }
0x23e: {  	[hbm4b:s8+s4] =	stream.indirect_vreg.scatter [tilespmem:s28], [sflag:$0x7], $0x80, v3, vm0, $0x2000b8;
	[tilespmem:$0x10300] =	vst v63  }
0x23f: {  	s2 =	simm.s32 $0xF000  }
0x240: {  	[hbm4b:s9+s4] =	stream.indirect_vreg.scatter [tilespmem:s2], [sflag:$0x7], $0x80, v3, vm0, $0x2000b8;
	[tilespmem:$0x10300] =	vst v63  }
0x241: {  	p0 =	sne.s32 s31, $0x1;
	s15 =	simm.s32 $0xF800  }
0x242: {  	[hbm4b:s10+s4] =	stream.indirect_vreg.scatter [tilespmem:s15], [sflag:$0x7], $0x80, v3, vm0, $0x2000b8;
	[tilespmem:$0x10300] =	vst v63  }
.Ltmp0:
0x243: {  	_ = 	snop;
	(pc) =	sbr.rel @p0 .LBB2_1-.Ltmp0, $4  }
0x244: {  	_ =	swait.ge [sflag:s25], $0x10000  }
0x245: {  	[sflag:s25] =	ssyncset.done $0x0  }
0x246: {  	[sflag:s25] =	ssyncadd.s32 $0xFFFF0000  }
0x247: {  	s31 =	sadd.s32 $0xFFFFFFFF, s31;
	_ =	strace $0x9000004C  }
0x248: {  	_ =	sfence.sel $0x180000  }
0x249: {  	[bflag:$0x0] =	sbarrier.arrive $0xFFFF  }
0x24a: {  	_ =	strace $0x90000047  }
0x24b: {  	s0 =	stileid.u32;
	[bflag:$0x2] =	sbarrier.arrive $0xFFFF  }
0x24c: {  	p0 =	sne.s32 s0, $0x0;
	s0 =	rddreg [dreg:$0x5]  }
0x24d: {  	s0 =	sadd.s32 @!p0 $0x100000, s0  }
0x24e: {  	[sflag:s0] =	ssyncadd.tile.s32 @!p0 $0x1;
	_ =	shalt  }
.Lfunc_end2:
_tile_overlayer_lowered:
.L_overlay_start_2:
0x24f: {  	(tag) =	ssettag $0x2  }
0x250: {  	s0 =	rddreg [dreg:$0x0];
	s2 =	stileid.u32  }
0x251: {  	s1 =	rddreg [dreg:$0x1];
	p0 =	sne.s32 s2, $0x0  }
0x252: {  	s3 =	rddreg [dreg:$0x2];
	[bflag:$0x3] =	sbarrier.arrive $0xFFFF;
	s2 =	simm.s32 @!p0 $0x1C01  }
0x253: {  	[timem:s3], [sflag:s2] =	dma.local @!p0 [hbm:s0], s1  }
0x254: {  	s0 =	simm.s32 @!p0 $0x1  }
0x255: {  	_ =	swait.ge @!p0 [sflag:s0], s1  }
0x256: {  	s1 =	ssub.s32 @!p0 $0x0, s1;
	[sflag:s0] =	ssyncset.done @!p0 $0x0  }
0x257: {  	[sflag:s0] =	ssyncadd.s32 @!p0 s1  }
0x258: {  	[bflag:$0x3] =	sbarrier.arrive $0xFFFF  }
0x259: {  	_ =	shalt  }

</sc_bundles>
